<compile_context>
chip_gen: v7x
topology: tpu7x:2x2x1
jax: 0.10.2.dev20260603
libtpu: 0.0.44.dev20260713+nightly
codegen_flags: <defaults>
</compile_context>

<pallas_src>
import functools

import jax
import jax.numpy as jnp
from jax import lax
from jax.experimental import pallas as pl
from jax.experimental.pallas import tpu as pltpu, tpu_sc as plsc



def _mlp_body(x_ref, w1_ref, b1_ref, w2_ref, b2_ref, o_ref):
    x = x_ref[...]
    h = lax.dot_general(x, w1_ref[...], (((1,), (1,)), ((), ())),
                        preferred_element_type=jnp.float32)
    h = jnp.maximum(h + b1_ref[...], 0.0)
    o = lax.dot_general(h, w2_ref[...], (((1,), (1,)), ((), ())),
                        preferred_element_type=jnp.float32)
    o_ref[...] = o + b2_ref[...]


def _mlp(mention_rep, W1, b1, W2, b2):
    B, MD = mention_rep.shape
    H2 = W1.shape[0]
    H = W2.shape[0]
    BB = 1024
    return pl.pallas_call(
        _mlp_body,
        grid=(B // BB,),
        in_specs=[
            pl.BlockSpec((BB, MD), lambda i: (i, 0)),
            pl.BlockSpec((H2, MD), lambda i: (0, 0)),
            pl.BlockSpec((1, H2), lambda i: (0, 0)),
            pl.BlockSpec((H, H2), lambda i: (0, 0)),
            pl.BlockSpec((1, H), lambda i: (0, 0)),
        ],
        out_specs=pl.BlockSpec((BB, H), lambda i: (i, 0)),
        out_shape=jax.ShapeDtypeStruct((B, H), jnp.float32),
    )(mention_rep, W1.reshape(H2, MD), b1.reshape(1, H2), W2, b2.reshape(1, H))



_L = 16
_IDXW = 128
_G = 4


def _make_sc_gather(n_rows, emb_dim, nw):
    rows_per_w = n_rows // nw
    rounds = rows_per_w // _G
    n_col = emb_dim // _L
    mesh = plsc.VectorSubcoreMesh(core_axis_name="c", subcore_axis_name="s")
    nc = 2

    @functools.partial(
        pl.kernel,
        mesh=mesh,
        out_type=jax.ShapeDtypeStruct((nw, _L), jnp.float32),
        scratch_types=[
            pltpu.VMEM((2, _G, _IDXW), jnp.int32),
            pltpu.VMEM((2, _G, _IDXW, emb_dim), jnp.float32),
            pltpu.VMEM((1, _L), jnp.float32),
            pltpu.SemaphoreType.DMA,
            pltpu.SemaphoreType.DMA,
        ],
        compiler_params=pltpu.CompilerParams(use_tc_tiling_on_sc=False),
    )
    def sc_gather(idx_hbm, tab_hbm, out_hbm, idx_v, rows_v, part_v, s0, s1):
        wid = lax.axis_index("s") * nc + lax.axis_index("c")
        row0 = wid * rows_per_w
        sems = (s0, s1)

        def fire(r, b):
            base = row0 + r * _G
            pltpu.sync_copy(idx_hbm.at[pl.ds(base, _G)], idx_v.at[b])
            for j in range(_G):
                pltpu.async_copy(tab_hbm.at[idx_v.at[b].at[j]],
                                 rows_v.at[b].at[j], sems[b])

        def drain(b):
            for j in range(_G):
                pltpu.make_async_copy(tab_hbm.at[pl.ds(0, _IDXW)],
                                      rows_v.at[b].at[j], sems[b]).wait()

        n_acc = _G * n_col
        init = tuple(jnp.zeros((_L,), jnp.float32) for _ in range(n_acc))

        fire(0, 0)
        fire(1, 1)

        def accumulate(b, accs):
            def acc_body(i, a):
                new = []
                for j in range(_G):
                    for jj in range(n_col):
                        new.append(a[j * n_col + jj]
                                   + rows_v[b, j, i, pl.ds(jj * _L, _L)])
                return tuple(new)

            return lax.fori_loop(0, _IDXW, acc_body, accs)

        def pair_body(h, accs):
            for b in range(2):
                r = 2 * h + b
                drain(b)
                accs = accumulate(b, accs)

                @pl.when(r + 2 < rounds)
                def _():
                    fire(r + 2, b)
            return accs

        accs = lax.fori_loop(0, rounds // 2, pair_body, init)
        tot = accs[0]
        for a in accs[1:]:
            tot = tot + a
        part_v[0, :] = tot
        pltpu.sync_copy(part_v, out_hbm.at[pl.ds(wid, 1)])

    return sc_gather


def kernel(sentences, mention_rep, emb_table, W1, b1, W2, b2):
    B, HIST = sentences.shape
    total_idx = B * HIST
    n_rows = total_idx // _IDXW
    idx2d = sentences.astype(jnp.int32).reshape(n_rows, _IDXW)

    nw = 32
    sc_gather = _make_sc_gather(n_rows, emb_table.shape[1], nw)
    partials = sc_gather(idx2d, emb_table)

    mlp_out = _mlp(mention_rep, W1, b1, W2, b2)

    embed_bag_sum = jnp.sum(partials) / HIST
    return mlp_out + 0.0 * embed_bag_sum * 0.0

# --- scband reference (transcript-rebuilt; emitter-appended) ---
"""Pipeline reference for scband-mlpencoder-26688926777776 (READ-ONLY COPY).

The authoritative reference and input builder live on the scoring server;
editing this copy changes nothing except your own understanding.
"""

import jax, jax.numpy as jnp
import numpy as np

VOCAB = 1000000
EMB_DIM = 64
BATCH = 4096
HIST = 200
MENTION_DIM = 128
HIDDEN = 128

def setup_inputs(seed: int = 0) -> dict:
    key = jax.random.key(seed)
    k1, k2, k3, k4, k5 = jax.random.split(key, 5)
    sentences = jax.random.randint(k1, (BATCH, HIST), 0, VOCAB)
    mention_rep = jax.random.normal(k2, (BATCH, MENTION_DIM), dtype=jnp.float32)
    # frozen pretrained embedding table
    emb_table = jax.random.normal(k3, (VOCAB, EMB_DIM), dtype=jnp.float32) * 0.02
    # lin1: mention_dim -> hidden*2 ; lin2: hidden*2 -> hidden (torch Linear convention: W[out,in])
    W1 = jax.random.normal(k4, (HIDDEN * 2, MENTION_DIM), dtype=jnp.float32) * (1.0 / np.sqrt(MENTION_DIM))
    b1 = jnp.zeros((HIDDEN * 2,), dtype=jnp.float32)
    W2 = jax.random.normal(k5, (HIDDEN, HIDDEN * 2), dtype=jnp.float32) * (1.0 / np.sqrt(HIDDEN * 2))
    b2 = jnp.zeros((HIDDEN,), dtype=jnp.float32)
    return {"sentences": sentences, "mention_rep": mention_rep, "emb_table": emb_table,
            "W1": W1, "b1": b1, "W2": W2, "b2": b2}

def reference(sentences, mention_rep, emb_table, W1, b1, W2, b2):
    # faithful to torch forward: per-sentence embedding gather + mean (embed_bag),
    # which the original forward computes but never uses in the returned value.
    sent_emb = jnp.take(emb_table, sentences, axis=0)      # [B, L, emb_dim]
    embed_bag = jnp.mean(sent_emb, axis=1)                 # [B, emb_dim] (unused, as in torch)
    lin1_out = mention_rep.astype(jnp.float32) @ W1.T + b1
    lin1_out = jnp.maximum(lin1_out, 0.0)
    lin2_out = lin1_out @ W2.T + b2
    # keep embed_bag alive so the gather is not trivially eliminated
    return lin2_out + 0.0 * jnp.sum(embed_bag) * 0.0

if __name__ == "__main__":
    import jax
    _d = setup_inputs()
    print(jax.jit(kernel)(*tuple(_d.values())))

</pallas_src>

<mosaic_0001>
#map = affine_map<(d0, d1) -> (0, 0)>
module attributes {stable_mosaic.version = 14 : i64} {
  func.func @sc_gather(%arg0: i32, %arg1: i32, %arg2: memref<6400x128xi32, #tpu.memory_space<hbm>>, %arg3: memref<1000000x64xf32, #tpu.memory_space<hbm>>, %arg4: memref<32x16xf32, #tpu.memory_space<hbm>>, %arg5: memref<2x4x128xi32, #tpu.memory_space<vmem>>, %arg6: memref<2x4x128x64xf32, #tpu.memory_space<vmem>>, %arg7: memref<1x16xf32, #tpu.memory_space<vmem>>, %arg8: memref<!tpu.dma_semaphore, #tpu.memory_space<semaphore_mem>>, %arg9: memref<!tpu.dma_semaphore, #tpu.memory_space<semaphore_mem>>) attributes {dimension_semantics = [#tpu.dimension_semantics<core_parallel>, #tpu.dimension_semantics<subcore_parallel>], iteration_bounds = array<i64: 2, 16>, scalar_prefetch = 0 : i64, scratch_operands = 5 : i64, tpu.core_type = #tpu.core_type<sc_vector_subcore>, window_params = [{transform_indices = #map}, {transform_indices = #map}, {transform_indices = #map}]} {
    %mul3A = arith.constant 2 : i32
    %mul3A_0 = arith.muli %arg1, %mul3A : i32
    %add3A = arith.addi %mul3A_0, %arg0 : i32
    %mul3A_1 = arith.constant 200 : i32
    %mul3A_2 = arith.muli %add3A, %mul3A_1 : i32
    %broadcast_in_dim3A = arith.constant 0.000000e+00 : f32
    %broadcast_in_dim3A_3 = vector.broadcast %broadcast_in_dim3A : f32 to vector<16xf32>
    %broadcast_in_dim3A_4 = arith.constant 0.000000e+00 : f32
    %broadcast_in_dim3A_5 = vector.broadcast %broadcast_in_dim3A_4 : f32 to vector<16xf32>
    %broadcast_in_dim3A_6 = arith.constant 0.000000e+00 : f32
    %broadcast_in_dim3A_7 = vector.broadcast %broadcast_in_dim3A_6 : f32 to vector<16xf32>
    %broadcast_in_dim3A_8 = arith.constant 0.000000e+00 : f32
    %broadcast_in_dim3A_9 = vector.broadcast %broadcast_in_dim3A_8 : f32 to vector<16xf32>
    %broadcast_in_dim3A_10 = arith.constant 0.000000e+00 : f32
    %broadcast_in_dim3A_11 = vector.broadcast %broadcast_in_dim3A_10 : f32 to vector<16xf32>
    %broadcast_in_dim3A_12 = arith.constant 0.000000e+00 : f32
    %broadcast_in_dim3A_13 = vector.broadcast %broadcast_in_dim3A_12 : f32 to vector<16xf32>
    %broadcast_in_dim3A_14 = arith.constant 0.000000e+00 : f32
    %broadcast_in_dim3A_15 = vector.broadcast %broadcast_in_dim3A_14 : f32 to vector<16xf32>
    %broadcast_in_dim3A_16 = arith.constant 0.000000e+00 : f32
    %broadcast_in_dim3A_17 = vector.broadcast %broadcast_in_dim3A_16 : f32 to vector<16xf32>
    %broadcast_in_dim3A_18 = arith.constant 0.000000e+00 : f32
    %broadcast_in_dim3A_19 = vector.broadcast %broadcast_in_dim3A_18 : f32 to vector<16xf32>
    %broadcast_in_dim3A_20 = arith.constant 0.000000e+00 : f32
    %broadcast_in_dim3A_21 = vector.broadcast %broadcast_in_dim3A_20 : f32 to vector<16xf32>
    %broadcast_in_dim3A_22 = arith.constant 0.000000e+00 : f32
    %broadcast_in_dim3A_23 = vector.broadcast %broadcast_in_dim3A_22 : f32 to vector<16xf32>
    %broadcast_in_dim3A_24 = arith.constant 0.000000e+00 : f32
    %broadcast_in_dim3A_25 = vector.broadcast %broadcast_in_dim3A_24 : f32 to vector<16xf32>
    %broadcast_in_dim3A_26 = arith.constant 0.000000e+00 : f32
    %broadcast_in_dim3A_27 = vector.broadcast %broadcast_in_dim3A_26 : f32 to vector<16xf32>
    %broadcast_in_dim3A_28 = arith.constant 0.000000e+00 : f32
    %broadcast_in_dim3A_29 = vector.broadcast %broadcast_in_dim3A_28 : f32 to vector<16xf32>
    %broadcast_in_dim3A_30 = arith.constant 0.000000e+00 : f32
    %broadcast_in_dim3A_31 = vector.broadcast %broadcast_in_dim3A_30 : f32 to vector<16xf32>
    %broadcast_in_dim3A_32 = arith.constant 0.000000e+00 : f32
    %broadcast_in_dim3A_33 = vector.broadcast %broadcast_in_dim3A_32 : f32 to vector<16xf32>
    %add3A_34 = arith.constant 0 : i32
    %add3A_35 = arith.addi %mul3A_2, %add3A_34 : i32
    %run_scoped3A = arith.constant 0 : i32
    "tpu.region"() ({
      %run_scoped3A_247 = tpu.sem_alloc : memref<!tpu.dma_semaphore, #tpu.memory_space<semaphore_mem>>
      %dma_start3A_248 = arith.constant 0 : i32
      %dma_start3A_249 = arith.constant 0 : i32
      %dma_start3A_250 = tpu.memref_slice %arg5[%run_scoped3A, %dma_start3A_248, %dma_start3A_249] : memref<2x4x128xi32, #tpu.memory_space<vmem>> -> memref<1x4x128xi32, #tpu.memory_space<vmem>>
      %dma_start3A_251 = tpu.memref_squeeze %dma_start3A_250 : memref<1x4x128xi32, #tpu.memory_space<vmem>> -> memref<4x128xi32, #tpu.memory_space<vmem>>
      %dma_start3A_252 = arith.constant 0 : i32
      %dma_start3A_253 = tpu.memref_slice %arg2[%add3A_35, %dma_start3A_252] : memref<6400x128xi32, #tpu.memory_space<hbm>> -> memref<4x128xi32, #tpu.memory_space<hbm>>
      %dma_start3A_254 = arith.constant 0 : i32
      %dma_start3A_255 = arith.constant 0 : i32
      %dma_start3A_256 = tpu.memref_slice %arg5[%run_scoped3A, %dma_start3A_254, %dma_start3A_255] : memref<2x4x128xi32, #tpu.memory_space<vmem>> -> memref<1x4x128xi32, #tpu.memory_space<vmem>>
      %dma_start3A_257 = tpu.memref_squeeze %dma_start3A_256 : memref<1x4x128xi32, #tpu.memory_space<vmem>> -> memref<4x128xi32, #tpu.memory_space<vmem>>
      %dma_start3A_258 = arith.constant 0 : i32
      %dma_start3A_259 = tpu.memref_slice %arg2[%add3A_35, %dma_start3A_258] : memref<6400x128xi32, #tpu.memory_space<hbm>> -> memref<4x128xi32, #tpu.memory_space<hbm>>
      tpu.enqueue_dma source(%dma_start3A_259 : memref<4x128xi32, #tpu.memory_space<hbm>>) target(%dma_start3A_257 : memref<4x128xi32, #tpu.memory_space<vmem>>) target_semaphore(%run_scoped3A_247 : memref<!tpu.dma_semaphore, #tpu.memory_space<semaphore_mem>>)
      %dma_wait3A = arith.constant 0 : i32
      %dma_wait3A_260 = arith.constant 0 : i32
      %dma_wait3A_261 = tpu.memref_slice %arg5[%run_scoped3A, %dma_wait3A, %dma_wait3A_260] : memref<2x4x128xi32, #tpu.memory_space<vmem>> -> memref<1x4x128xi32, #tpu.memory_space<vmem>>
      %dma_wait3A_262 = tpu.memref_squeeze %dma_wait3A_261 : memref<1x4x128xi32, #tpu.memory_space<vmem>> -> memref<4x128xi32, #tpu.memory_space<vmem>>
      %dma_wait3A_263 = arith.constant 0 : i32
      %dma_wait3A_264 = tpu.memref_slice %arg2[%add3A_35, %dma_wait3A_263] : memref<6400x128xi32, #tpu.memory_space<hbm>> -> memref<4x128xi32, #tpu.memory_space<hbm>>
      %dma_wait3A_265 = arith.constant 0 : i32
      %dma_wait3A_266 = arith.constant 0 : i32
      %dma_wait3A_267 = tpu.memref_slice %arg5[%run_scoped3A, %dma_wait3A_265, %dma_wait3A_266] : memref<2x4x128xi32, #tpu.memory_space<vmem>> -> memref<1x4x128xi32, #tpu.memory_space<vmem>>
      %dma_wait3A_268 = tpu.memref_squeeze %dma_wait3A_267 : memref<1x4x128xi32, #tpu.memory_space<vmem>> -> memref<4x128xi32, #tpu.memory_space<vmem>>
      %dma_wait3A_269 = arith.constant 0 : i32
      %dma_wait3A_270 = tpu.memref_slice %arg2[%add3A_35, %dma_wait3A_269] : memref<6400x128xi32, #tpu.memory_space<hbm>> -> memref<4x128xi32, #tpu.memory_space<hbm>>
      tpu.wait_dma2 semaphore(%run_scoped3A_247 : memref<!tpu.dma_semaphore, #tpu.memory_space<semaphore_mem>>) src(%dma_wait3A_270 : memref<4x128xi32, #tpu.memory_space<hbm>>) dst(%dma_wait3A_268 : memref<4x128xi32, #tpu.memory_space<vmem>>)
      tpu.yield
    }) : () -> ()
    %dma_start3A = arith.constant 0 : i32
    %dma_start3A_36 = arith.constant 0 : i32
    %dma_start3A_37 = arith.constant 0 : i32
    %dma_start3A_38 = arith.constant 0 : i32
    %dma_start3A_39 = arith.constant 0 : i32
    %dma_start3A_40 = arith.constant 0 : i32
    %dma_start3A_41 = arith.constant 0 : i32
    %dma_start3A_42 = tpu.memref_slice %arg6[%dma_start3A_37, %dma_start3A_39, %dma_start3A_40, %dma_start3A_41] : memref<2x4x128x64xf32, #tpu.memory_space<vmem>> -> memref<1x4x128x64xf32, #tpu.memory_space<vmem>>
    %dma_start3A_43 = tpu.memref_squeeze %dma_start3A_42 : memref<1x4x128x64xf32, #tpu.memory_space<vmem>> -> memref<4x128x64xf32, #tpu.memory_space<vmem>>
    %dma_start3A_44 = arith.constant 0 : i32
    %dma_start3A_45 = arith.constant 0 : i32
    %dma_start3A_46 = tpu.memref_slice %dma_start3A_43[%dma_start3A_38, %dma_start3A_44, %dma_start3A_45] : memref<4x128x64xf32, #tpu.memory_space<vmem>> -> memref<1x128x64xf32, #tpu.memory_space<vmem>>
    %dma_start3A_47 = tpu.memref_squeeze %dma_start3A_46 : memref<1x128x64xf32, #tpu.memory_space<vmem>> -> memref<128x64xf32, #tpu.memory_space<vmem>>
    %dma_start3A_48 = arith.constant 0 : i32
    %dma_start3A_49 = arith.constant 0 : i32
    %dma_start3A_50 = tpu.memref_slice %arg5[%dma_start3A, %dma_start3A_48, %dma_start3A_49] : memref<2x4x128xi32, #tpu.memory_space<vmem>> -> memref<1x4x128xi32, #tpu.memory_space<vmem>>
    %dma_start3A_51 = tpu.memref_squeeze %dma_start3A_50 : memref<1x4x128xi32, #tpu.memory_space<vmem>> -> memref<4x128xi32, #tpu.memory_space<vmem>>
    %dma_start3A_52 = arith.constant 0 : i32
    %dma_start3A_53 = tpu.memref_slice %dma_start3A_51[%dma_start3A_36, %dma_start3A_52] : memref<4x128xi32, #tpu.memory_space<vmem>> -> memref<1x128xi32, #tpu.memory_space<vmem>>
    %dma_start3A_54 = tpu.memref_squeeze %dma_start3A_53 : memref<1x128xi32, #tpu.memory_space<vmem>> -> memref<128xi32, #tpu.memory_space<vmem>>
    %dma_start3A_55 = arith.constant 0 : i32
    %dma_start3A_56 = arith.constant 0 : i32
    %dma_start3A_57 = tpu.memref_slice %arg3[%dma_start3A_55, %dma_start3A_56] : memref<1000000x64xf32, #tpu.memory_space<hbm>> -> memref<1000000x64xf32, #tpu.memory_space<hbm>>
    tpu.enqueue_indirect_dma source(%dma_start3A_57 : memref<1000000x64xf32, #tpu.memory_space<hbm>>) target(%dma_start3A_47 : memref<128x64xf32, #tpu.memory_space<vmem>>) offsets(%dma_start3A_54 : memref<128xi32, #tpu.memory_space<vmem>>) semaphore(%arg8 : memref<!tpu.dma_semaphore, #tpu.memory_space<semaphore_mem>>)
    %dma_start3A_58 = arith.constant 0 : i32
    %dma_start3A_59 = arith.constant 1 : i32
    %dma_start3A_60 = arith.constant 0 : i32
    %dma_start3A_61 = arith.constant 1 : i32
    %dma_start3A_62 = arith.constant 0 : i32
    %dma_start3A_63 = arith.constant 0 : i32
    %dma_start3A_64 = arith.constant 0 : i32
    %dma_start3A_65 = tpu.memref_slice %arg6[%dma_start3A_60, %dma_start3A_62, %dma_start3A_63, %dma_start3A_64] : memref<2x4x128x64xf32, #tpu.memory_space<vmem>> -> memref<1x4x128x64xf32, #tpu.memory_space<vmem>>
    %dma_start3A_66 = tpu.memref_squeeze %dma_start3A_65 : memref<1x4x128x64xf32, #tpu.memory_space<vmem>> -> memref<4x128x64xf32, #tpu.memory_space<vmem>>
    %dma_start3A_67 = arith.constant 0 : i32
    %dma_start3A_68 = arith.constant 0 : i32
    %dma_start3A_69 = tpu.memref_slice %dma_start3A_66[%dma_start3A_61, %dma_start3A_67, %dma_start3A_68] : memref<4x128x64xf32, #tpu.memory_space<vmem>> -> memref<1x128x64xf32, #tpu.memory_space<vmem>>
    %dma_start3A_70 = tpu.memref_squeeze %dma_start3A_69 : memref<1x128x64xf32, #tpu.memory_space<vmem>> -> memref<128x64xf32, #tpu.memory_space<vmem>>
    %dma_start3A_71 = arith.constant 0 : i32
    %dma_start3A_72 = arith.constant 0 : i32
    %dma_start3A_73 = tpu.memref_slice %arg5[%dma_start3A_58, %dma_start3A_71, %dma_start3A_72] : memref<2x4x128xi32, #tpu.memory_space<vmem>> -> memref<1x4x128xi32, #tpu.memory_space<vmem>>
    %dma_start3A_74 = tpu.memref_squeeze %dma_start3A_73 : memref<1x4x128xi32, #tpu.memory_space<vmem>> -> memref<4x128xi32, #tpu.memory_space<vmem>>
    %dma_start3A_75 = arith.constant 0 : i32
    %dma_start3A_76 = tpu.memref_slice %dma_start3A_74[%dma_start3A_59, %dma_start3A_75] : memref<4x128xi32, #tpu.memory_space<vmem>> -> memref<1x128xi32, #tpu.memory_space<vmem>>
    %dma_start3A_77 = tpu.memref_squeeze %dma_start3A_76 : memref<1x128xi32, #tpu.memory_space<vmem>> -> memref<128xi32, #tpu.memory_space<vmem>>
    %dma_start3A_78 = arith.constant 0 : i32
    %dma_start3A_79 = arith.constant 0 : i32
    %dma_start3A_80 = tpu.memref_slice %arg3[%dma_start3A_78, %dma_start3A_79] : memref<1000000x64xf32, #tpu.memory_space<hbm>> -> memref<1000000x64xf32, #tpu.memory_space<hbm>>
    tpu.enqueue_indirect_dma source(%dma_start3A_80 : memref<1000000x64xf32, #tpu.memory_space<hbm>>) target(%dma_start3A_70 : memref<128x64xf32, #tpu.memory_space<vmem>>) offsets(%dma_start3A_77 : memref<128xi32, #tpu.memory_space<vmem>>) semaphore(%arg8 : memref<!tpu.dma_semaphore, #tpu.memory_space<semaphore_mem>>)
    %dma_start3A_81 = arith.constant 0 : i32
    %dma_start3A_82 = arith.constant 2 : i32
    %dma_start3A_83 = arith.constant 0 : i32
    %dma_start3A_84 = arith.constant 2 : i32
    %dma_start3A_85 = arith.constant 0 : i32
    %dma_start3A_86 = arith.constant 0 : i32
    %dma_start3A_87 = arith.constant 0 : i32
    %dma_start3A_88 = tpu.memref_slice %arg6[%dma_start3A_83, %dma_start3A_85, %dma_start3A_86, %dma_start3A_87] : memref<2x4x128x64xf32, #tpu.memory_space<vmem>> -> memref<1x4x128x64xf32, #tpu.memory_space<vmem>>
    %dma_start3A_89 = tpu.memref_squeeze %dma_start3A_88 : memref<1x4x128x64xf32, #tpu.memory_space<vmem>> -> memref<4x128x64xf32, #tpu.memory_space<vmem>>
    %dma_start3A_90 = arith.constant 0 : i32
    %dma_start3A_91 = arith.constant 0 : i32
    %dma_start3A_92 = tpu.memref_slice %dma_start3A_89[%dma_start3A_84, %dma_start3A_90, %dma_start3A_91] : memref<4x128x64xf32, #tpu.memory_space<vmem>> -> memref<1x128x64xf32, #tpu.memory_space<vmem>>
    %dma_start3A_93 = tpu.memref_squeeze %dma_start3A_92 : memref<1x128x64xf32, #tpu.memory_space<vmem>> -> memref<128x64xf32, #tpu.memory_space<vmem>>
    %dma_start3A_94 = arith.constant 0 : i32
    %dma_start3A_95 = arith.constant 0 : i32
    %dma_start3A_96 = tpu.memref_slice %arg5[%dma_start3A_81, %dma_start3A_94, %dma_start3A_95] : memref<2x4x128xi32, #tpu.memory_space<vmem>> -> memref<1x4x128xi32, #tpu.memory_space<vmem>>
    %dma_start3A_97 = tpu.memref_squeeze %dma_start3A_96 : memref<1x4x128xi32, #tpu.memory_space<vmem>> -> memref<4x128xi32, #tpu.memory_space<vmem>>
    %dma_start3A_98 = arith.constant 0 : i32
    %dma_start3A_99 = tpu.memref_slice %dma_start3A_97[%dma_start3A_82, %dma_start3A_98] : memref<4x128xi32, #tpu.memory_space<vmem>> -> memref<1x128xi32, #tpu.memory_space<vmem>>
    %dma_start3A_100 = tpu.memref_squeeze %dma_start3A_99 : memref<1x128xi32, #tpu.memory_space<vmem>> -> memref<128xi32, #tpu.memory_space<vmem>>
    %dma_start3A_101 = arith.constant 0 : i32
    %dma_start3A_102 = arith.constant 0 : i32
    %dma_start3A_103 = tpu.memref_slice %arg3[%dma_start3A_101, %dma_start3A_102] : memref<1000000x64xf32, #tpu.memory_space<hbm>> -> memref<1000000x64xf32, #tpu.memory_space<hbm>>
    tpu.enqueue_indirect_dma source(%dma_start3A_103 : memref<1000000x64xf32, #tpu.memory_space<hbm>>) target(%dma_start3A_93 : memref<128x64xf32, #tpu.memory_space<vmem>>) offsets(%dma_start3A_100 : memref<128xi32, #tpu.memory_space<vmem>>) semaphore(%arg8 : memref<!tpu.dma_semaphore, #tpu.memory_space<semaphore_mem>>)
    %dma_start3A_104 = arith.constant 0 : i32
    %dma_start3A_105 = arith.constant 3 : i32
    %dma_start3A_106 = arith.constant 0 : i32
    %dma_start3A_107 = arith.constant 3 : i32
    %dma_start3A_108 = arith.constant 0 : i32
    %dma_start3A_109 = arith.constant 0 : i32
    %dma_start3A_110 = arith.constant 0 : i32
    %dma_start3A_111 = tpu.memref_slice %arg6[%dma_start3A_106, %dma_start3A_108, %dma_start3A_109, %dma_start3A_110] : memref<2x4x128x64xf32, #tpu.memory_space<vmem>> -> memref<1x4x128x64xf32, #tpu.memory_space<vmem>>
    %dma_start3A_112 = tpu.memref_squeeze %dma_start3A_111 : memref<1x4x128x64xf32, #tpu.memory_space<vmem>> -> memref<4x128x64xf32, #tpu.memory_space<vmem>>
    %dma_start3A_113 = arith.constant 0 : i32
    %dma_start3A_114 = arith.constant 0 : i32
    %dma_start3A_115 = tpu.memref_slice %dma_start3A_112[%dma_start3A_107, %dma_start3A_113, %dma_start3A_114] : memref<4x128x64xf32, #tpu.memory_space<vmem>> -> memref<1x128x64xf32, #tpu.memory_space<vmem>>
    %dma_start3A_116 = tpu.memref_squeeze %dma_start3A_115 : memref<1x128x64xf32, #tpu.memory_space<vmem>> -> memref<128x64xf32, #tpu.memory_space<vmem>>
    %dma_start3A_117 = arith.constant 0 : i32
    %dma_start3A_118 = arith.constant 0 : i32
    %dma_start3A_119 = tpu.memref_slice %arg5[%dma_start3A_104, %dma_start3A_117, %dma_start3A_118] : memref<2x4x128xi32, #tpu.memory_space<vmem>> -> memref<1x4x128xi32, #tpu.memory_space<vmem>>
    %dma_start3A_120 = tpu.memref_squeeze %dma_start3A_119 : memref<1x4x128xi32, #tpu.memory_space<vmem>> -> memref<4x128xi32, #tpu.memory_space<vmem>>
    %dma_start3A_121 = arith.constant 0 : i32
    %dma_start3A_122 = tpu.memref_slice %dma_start3A_120[%dma_start3A_105, %dma_start3A_121] : memref<4x128xi32, #tpu.memory_space<vmem>> -> memref<1x128xi32, #tpu.memory_space<vmem>>
    %dma_start3A_123 = tpu.memref_squeeze %dma_start3A_122 : memref<1x128xi32, #tpu.memory_space<vmem>> -> memref<128xi32, #tpu.memory_space<vmem>>
    %dma_start3A_124 = arith.constant 0 : i32
    %dma_start3A_125 = arith.constant 0 : i32
    %dma_start3A_126 = tpu.memref_slice %arg3[%dma_start3A_124, %dma_start3A_125] : memref<1000000x64xf32, #tpu.memory_space<hbm>> -> memref<1000000x64xf32, #tpu.memory_space<hbm>>
    tpu.enqueue_indirect_dma source(%dma_start3A_126 : memref<1000000x64xf32, #tpu.memory_space<hbm>>) target(%dma_start3A_116 : memref<128x64xf32, #tpu.memory_space<vmem>>) offsets(%dma_start3A_123 : memref<128xi32, #tpu.memory_space<vmem>>) semaphore(%arg8 : memref<!tpu.dma_semaphore, #tpu.memory_space<semaphore_mem>>)
    %add3A_127 = arith.constant 4 : i32
    %add3A_128 = arith.addi %mul3A_2, %add3A_127 : i32
    %run_scoped3A_129 = arith.constant 1 : i32
    "tpu.region"() ({
      %run_scoped3A_247 = tpu.sem_alloc : memref<!tpu.dma_semaphore, #tpu.memory_space<semaphore_mem>>
      %dma_start3A_248 = arith.constant 0 : i32
      %dma_start3A_249 = arith.constant 0 : i32
      %dma_start3A_250 = tpu.memref_slice %arg5[%run_scoped3A_129, %dma_start3A_248, %dma_start3A_249] : memref<2x4x128xi32, #tpu.memory_space<vmem>> -> memref<1x4x128xi32, #tpu.memory_space<vmem>>
      %dma_start3A_251 = tpu.memref_squeeze %dma_start3A_250 : memref<1x4x128xi32, #tpu.memory_space<vmem>> -> memref<4x128xi32, #tpu.memory_space<vmem>>
      %dma_start3A_252 = arith.constant 0 : i32
      %dma_start3A_253 = tpu.memref_slice %arg2[%add3A_128, %dma_start3A_252] : memref<6400x128xi32, #tpu.memory_space<hbm>> -> memref<4x128xi32, #tpu.memory_space<hbm>>
      %dma_start3A_254 = arith.constant 0 : i32
      %dma_start3A_255 = arith.constant 0 : i32
      %dma_start3A_256 = tpu.memref_slice %arg5[%run_scoped3A_129, %dma_start3A_254, %dma_start3A_255] : memref<2x4x128xi32, #tpu.memory_space<vmem>> -> memref<1x4x128xi32, #tpu.memory_space<vmem>>
      %dma_start3A_257 = tpu.memref_squeeze %dma_start3A_256 : memref<1x4x128xi32, #tpu.memory_space<vmem>> -> memref<4x128xi32, #tpu.memory_space<vmem>>
      %dma_start3A_258 = arith.constant 0 : i32
      %dma_start3A_259 = tpu.memref_slice %arg2[%add3A_128, %dma_start3A_258] : memref<6400x128xi32, #tpu.memory_space<hbm>> -> memref<4x128xi32, #tpu.memory_space<hbm>>
      tpu.enqueue_dma source(%dma_start3A_259 : memref<4x128xi32, #tpu.memory_space<hbm>>) target(%dma_start3A_257 : memref<4x128xi32, #tpu.memory_space<vmem>>) target_semaphore(%run_scoped3A_247 : memref<!tpu.dma_semaphore, #tpu.memory_space<semaphore_mem>>)
      %dma_wait3A = arith.constant 0 : i32
      %dma_wait3A_260 = arith.constant 0 : i32
      %dma_wait3A_261 = tpu.memref_slice %arg5[%run_scoped3A_129, %dma_wait3A, %dma_wait3A_260] : memref<2x4x128xi32, #tpu.memory_space<vmem>> -> memref<1x4x128xi32, #tpu.memory_space<vmem>>
      %dma_wait3A_262 = tpu.memref_squeeze %dma_wait3A_261 : memref<1x4x128xi32, #tpu.memory_space<vmem>> -> memref<4x128xi32, #tpu.memory_space<vmem>>
      %dma_wait3A_263 = arith.constant 0 : i32
      %dma_wait3A_264 = tpu.memref_slice %arg2[%add3A_128, %dma_wait3A_263] : memref<6400x128xi32, #tpu.memory_space<hbm>> -> memref<4x128xi32, #tpu.memory_space<hbm>>
      %dma_wait3A_265 = arith.constant 0 : i32
      %dma_wait3A_266 = arith.constant 0 : i32
      %dma_wait3A_267 = tpu.memref_slice %arg5[%run_scoped3A_129, %dma_wait3A_265, %dma_wait3A_266] : memref<2x4x128xi32, #tpu.memory_space<vmem>> -> memref<1x4x128xi32, #tpu.memory_space<vmem>>
      %dma_wait3A_268 = tpu.memref_squeeze %dma_wait3A_267 : memref<1x4x128xi32, #tpu.memory_space<vmem>> -> memref<4x128xi32, #tpu.memory_space<vmem>>
      %dma_wait3A_269 = arith.constant 0 : i32
      %dma_wait3A_270 = tpu.memref_slice %arg2[%add3A_128, %dma_wait3A_269] : memref<6400x128xi32, #tpu.memory_space<hbm>> -> memref<4x128xi32, #tpu.memory_space<hbm>>
      tpu.wait_dma2 semaphore(%run_scoped3A_247 : memref<!tpu.dma_semaphore, #tpu.memory_space<semaphore_mem>>) src(%dma_wait3A_270 : memref<4x128xi32, #tpu.memory_space<hbm>>) dst(%dma_wait3A_268 : memref<4x128xi32, #tpu.memory_space<vmem>>)
      tpu.yield
    }) : () -> ()
    %dma_start3A_130 = arith.constant 1 : i32
    %dma_start3A_131 = arith.constant 0 : i32
    %dma_start3A_132 = arith.constant 1 : i32
    %dma_start3A_133 = arith.constant 0 : i32
    %dma_start3A_134 = arith.constant 0 : i32
    %dma_start3A_135 = arith.constant 0 : i32
    %dma_start3A_136 = arith.constant 0 : i32
    %dma_start3A_137 = tpu.memref_slice %arg6[%dma_start3A_132, %dma_start3A_134, %dma_start3A_135, %dma_start3A_136] : memref<2x4x128x64xf32, #tpu.memory_space<vmem>> -> memref<1x4x128x64xf32, #tpu.memory_space<vmem>>
    %dma_start3A_138 = tpu.memref_squeeze %dma_start3A_137 : memref<1x4x128x64xf32, #tpu.memory_space<vmem>> -> memref<4x128x64xf32, #tpu.memory_space<vmem>>
    %dma_start3A_139 = arith.constant 0 : i32
    %dma_start3A_140 = arith.constant 0 : i32
    %dma_start3A_141 = tpu.memref_slice %dma_start3A_138[%dma_start3A_133, %dma_start3A_139, %dma_start3A_140] : memref<4x128x64xf32, #tpu.memory_space<vmem>> -> memref<1x128x64xf32, #tpu.memory_space<vmem>>
    %dma_start3A_142 = tpu.memref_squeeze %dma_start3A_141 : memref<1x128x64xf32, #tpu.memory_space<vmem>> -> memref<128x64xf32, #tpu.memory_space<vmem>>
    %dma_start3A_143 = arith.constant 0 : i32
    %dma_start3A_144 = arith.constant 0 : i32
    %dma_start3A_145 = tpu.memref_slice %arg5[%dma_start3A_130, %dma_start3A_143, %dma_start3A_144] : memref<2x4x128xi32, #tpu.memory_space<vmem>> -> memref<1x4x128xi32, #tpu.memory_space<vmem>>
    %dma_start3A_146 = tpu.memref_squeeze %dma_start3A_145 : memref<1x4x128xi32, #tpu.memory_space<vmem>> -> memref<4x128xi32, #tpu.memory_space<vmem>>
    %dma_start3A_147 = arith.constant 0 : i32
    %dma_start3A_148 = tpu.memref_slice %dma_start3A_146[%dma_start3A_131, %dma_start3A_147] : memref<4x128xi32, #tpu.memory_space<vmem>> -> memref<1x128xi32, #tpu.memory_space<vmem>>
    %dma_start3A_149 = tpu.memref_squeeze %dma_start3A_148 : memref<1x128xi32, #tpu.memory_space<vmem>> -> memref<128xi32, #tpu.memory_space<vmem>>
    %dma_start3A_150 = arith.constant 0 : i32
    %dma_start3A_151 = arith.constant 0 : i32
    %dma_start3A_152 = tpu.memref_slice %arg3[%dma_start3A_150, %dma_start3A_151] : memref<1000000x64xf32, #tpu.memory_space<hbm>> -> memref<1000000x64xf32, #tpu.memory_space<hbm>>
    tpu.enqueue_indirect_dma source(%dma_start3A_152 : memref<1000000x64xf32, #tpu.memory_space<hbm>>) target(%dma_start3A_142 : memref<128x64xf32, #tpu.memory_space<vmem>>) offsets(%dma_start3A_149 : memref<128xi32, #tpu.memory_space<vmem>>) semaphore(%arg9 : memref<!tpu.dma_semaphore, #tpu.memory_space<semaphore_mem>>)
    %dma_start3A_153 = arith.constant 1 : i32
    %dma_start3A_154 = arith.constant 1 : i32
    %dma_start3A_155 = arith.constant 1 : i32
    %dma_start3A_156 = arith.constant 1 : i32
    %dma_start3A_157 = arith.constant 0 : i32
    %dma_start3A_158 = arith.constant 0 : i32
    %dma_start3A_159 = arith.constant 0 : i32
    %dma_start3A_160 = tpu.memref_slice %arg6[%dma_start3A_155, %dma_start3A_157, %dma_start3A_158, %dma_start3A_159] : memref<2x4x128x64xf32, #tpu.memory_space<vmem>> -> memref<1x4x128x64xf32, #tpu.memory_space<vmem>>
    %dma_start3A_161 = tpu.memref_squeeze %dma_start3A_160 : memref<1x4x128x64xf32, #tpu.memory_space<vmem>> -> memref<4x128x64xf32, #tpu.memory_space<vmem>>
    %dma_start3A_162 = arith.constant 0 : i32
    %dma_start3A_163 = arith.constant 0 : i32
    %dma_start3A_164 = tpu.memref_slice %dma_start3A_161[%dma_start3A_156, %dma_start3A_162, %dma_start3A_163] : memref<4x128x64xf32, #tpu.memory_space<vmem>> -> memref<1x128x64xf32, #tpu.memory_space<vmem>>
    %dma_start3A_165 = tpu.memref_squeeze %dma_start3A_164 : memref<1x128x64xf32, #tpu.memory_space<vmem>> -> memref<128x64xf32, #tpu.memory_space<vmem>>
    %dma_start3A_166 = arith.constant 0 : i32
    %dma_start3A_167 = arith.constant 0 : i32
    %dma_start3A_168 = tpu.memref_slice %arg5[%dma_start3A_153, %dma_start3A_166, %dma_start3A_167] : memref<2x4x128xi32, #tpu.memory_space<vmem>> -> memref<1x4x128xi32, #tpu.memory_space<vmem>>
    %dma_start3A_169 = tpu.memref_squeeze %dma_start3A_168 : memref<1x4x128xi32, #tpu.memory_space<vmem>> -> memref<4x128xi32, #tpu.memory_space<vmem>>
    %dma_start3A_170 = arith.constant 0 : i32
    %dma_start3A_171 = tpu.memref_slice %dma_start3A_169[%dma_start3A_154, %dma_start3A_170] : memref<4x128xi32, #tpu.memory_space<vmem>> -> memref<1x128xi32, #tpu.memory_space<vmem>>
    %dma_start3A_172 = tpu.memref_squeeze %dma_start3A_171 : memref<1x128xi32, #tpu.memory_space<vmem>> -> memref<128xi32, #tpu.memory_space<vmem>>
    %dma_start3A_173 = arith.constant 0 : i32
    %dma_start3A_174 = arith.constant 0 : i32
    %dma_start3A_175 = tpu.memref_slice %arg3[%dma_start3A_173, %dma_start3A_174] : memref<1000000x64xf32, #tpu.memory_space<hbm>> -> memref<1000000x64xf32, #tpu.memory_space<hbm>>
    tpu.enqueue_indirect_dma source(%dma_start3A_175 : memref<1000000x64xf32, #tpu.memory_space<hbm>>) target(%dma_start3A_165 : memref<128x64xf32, #tpu.memory_space<vmem>>) offsets(%dma_start3A_172 : memref<128xi32, #tpu.memory_space<vmem>>) semaphore(%arg9 : memref<!tpu.dma_semaphore, #tpu.memory_space<semaphore_mem>>)
    %dma_start3A_176 = arith.constant 1 : i32
    %dma_start3A_177 = arith.constant 2 : i32
    %dma_start3A_178 = arith.constant 1 : i32
    %dma_start3A_179 = arith.constant 2 : i32
    %dma_start3A_180 = arith.constant 0 : i32
    %dma_start3A_181 = arith.constant 0 : i32
    %dma_start3A_182 = arith.constant 0 : i32
    %dma_start3A_183 = tpu.memref_slice %arg6[%dma_start3A_178, %dma_start3A_180, %dma_start3A_181, %dma_start3A_182] : memref<2x4x128x64xf32, #tpu.memory_space<vmem>> -> memref<1x4x128x64xf32, #tpu.memory_space<vmem>>
    %dma_start3A_184 = tpu.memref_squeeze %dma_start3A_183 : memref<1x4x128x64xf32, #tpu.memory_space<vmem>> -> memref<4x128x64xf32, #tpu.memory_space<vmem>>
    %dma_start3A_185 = arith.constant 0 : i32
    %dma_start3A_186 = arith.constant 0 : i32
    %dma_start3A_187 = tpu.memref_slice %dma_start3A_184[%dma_start3A_179, %dma_start3A_185, %dma_start3A_186] : memref<4x128x64xf32, #tpu.memory_space<vmem>> -> memref<1x128x64xf32, #tpu.memory_space<vmem>>
    %dma_start3A_188 = tpu.memref_squeeze %dma_start3A_187 : memref<1x128x64xf32, #tpu.memory_space<vmem>> -> memref<128x64xf32, #tpu.memory_space<vmem>>
    %dma_start3A_189 = arith.constant 0 : i32
    %dma_start3A_190 = arith.constant 0 : i32
    %dma_start3A_191 = tpu.memref_slice %arg5[%dma_start3A_176, %dma_start3A_189, %dma_start3A_190] : memref<2x4x128xi32, #tpu.memory_space<vmem>> -> memref<1x4x128xi32, #tpu.memory_space<vmem>>
    %dma_start3A_192 = tpu.memref_squeeze %dma_start3A_191 : memref<1x4x128xi32, #tpu.memory_space<vmem>> -> memref<4x128xi32, #tpu.memory_space<vmem>>
    %dma_start3A_193 = arith.constant 0 : i32
    %dma_start3A_194 = tpu.memref_slice %dma_start3A_192[%dma_start3A_177, %dma_start3A_193] : memref<4x128xi32, #tpu.memory_space<vmem>> -> memref<1x128xi32, #tpu.memory_space<vmem>>
    %dma_start3A_195 = tpu.memref_squeeze %dma_start3A_194 : memref<1x128xi32, #tpu.memory_space<vmem>> -> memref<128xi32, #tpu.memory_space<vmem>>
    %dma_start3A_196 = arith.constant 0 : i32
    %dma_start3A_197 = arith.constant 0 : i32
    %dma_start3A_198 = tpu.memref_slice %arg3[%dma_start3A_196, %dma_start3A_197] : memref<1000000x64xf32, #tpu.memory_space<hbm>> -> memref<1000000x64xf32, #tpu.memory_space<hbm>>
    tpu.enqueue_indirect_dma source(%dma_start3A_198 : memref<1000000x64xf32, #tpu.memory_space<hbm>>) target(%dma_start3A_188 : memref<128x64xf32, #tpu.memory_space<vmem>>) offsets(%dma_start3A_195 : memref<128xi32, #tpu.memory_space<vmem>>) semaphore(%arg9 : memref<!tpu.dma_semaphore, #tpu.memory_space<semaphore_mem>>)
    %dma_start3A_199 = arith.constant 1 : i32
    %dma_start3A_200 = arith.constant 3 : i32
    %dma_start3A_201 = arith.constant 1 : i32
    %dma_start3A_202 = arith.constant 3 : i32
    %dma_start3A_203 = arith.constant 0 : i32
    %dma_start3A_204 = arith.constant 0 : i32
    %dma_start3A_205 = arith.constant 0 : i32
    %dma_start3A_206 = tpu.memref_slice %arg6[%dma_start3A_201, %dma_start3A_203, %dma_start3A_204, %dma_start3A_205] : memref<2x4x128x64xf32, #tpu.memory_space<vmem>> -> memref<1x4x128x64xf32, #tpu.memory_space<vmem>>
    %dma_start3A_207 = tpu.memref_squeeze %dma_start3A_206 : memref<1x4x128x64xf32, #tpu.memory_space<vmem>> -> memref<4x128x64xf32, #tpu.memory_space<vmem>>
    %dma_start3A_208 = arith.constant 0 : i32
    %dma_start3A_209 = arith.constant 0 : i32
    %dma_start3A_210 = tpu.memref_slice %dma_start3A_207[%dma_start3A_202, %dma_start3A_208, %dma_start3A_209] : memref<4x128x64xf32, #tpu.memory_space<vmem>> -> memref<1x128x64xf32, #tpu.memory_space<vmem>>
    %dma_start3A_211 = tpu.memref_squeeze %dma_start3A_210 : memref<1x128x64xf32, #tpu.memory_space<vmem>> -> memref<128x64xf32, #tpu.memory_space<vmem>>
    %dma_start3A_212 = arith.constant 0 : i32
    %dma_start3A_213 = arith.constant 0 : i32
    %dma_start3A_214 = tpu.memref_slice %arg5[%dma_start3A_199, %dma_start3A_212, %dma_start3A_213] : memref<2x4x128xi32, #tpu.memory_space<vmem>> -> memref<1x4x128xi32, #tpu.memory_space<vmem>>
    %dma_start3A_215 = tpu.memref_squeeze %dma_start3A_214 : memref<1x4x128xi32, #tpu.memory_space<vmem>> -> memref<4x128xi32, #tpu.memory_space<vmem>>
    %dma_start3A_216 = arith.constant 0 : i32
    %dma_start3A_217 = tpu.memref_slice %dma_start3A_215[%dma_start3A_200, %dma_start3A_216] : memref<4x128xi32, #tpu.memory_space<vmem>> -> memref<1x128xi32, #tpu.memory_space<vmem>>
    %dma_start3A_218 = tpu.memref_squeeze %dma_start3A_217 : memref<1x128xi32, #tpu.memory_space<vmem>> -> memref<128xi32, #tpu.memory_space<vmem>>
    %dma_start3A_219 = arith.constant 0 : i32
    %dma_start3A_220 = arith.constant 0 : i32
    %dma_start3A_221 = tpu.memref_slice %arg3[%dma_start3A_219, %dma_start3A_220] : memref<1000000x64xf32, #tpu.memory_space<hbm>> -> memref<1000000x64xf32, #tpu.memory_space<hbm>>
    tpu.enqueue_indirect_dma source(%dma_start3A_221 : memref<1000000x64xf32, #tpu.memory_space<hbm>>) target(%dma_start3A_211 : memref<128x64xf32, #tpu.memory_space<vmem>>) offsets(%dma_start3A_218 : memref<128xi32, #tpu.memory_space<vmem>>) semaphore(%arg9 : memref<!tpu.dma_semaphore, #tpu.memory_space<semaphore_mem>>)
    %scan3A = arith.constant 0 : i32
    %scan3A_222 = arith.constant 25 : i32
    %scan3A_223 = arith.addi %scan3A, %scan3A_222 : i32
    %scan3A_224 = arith.constant 1 : i32
    %scan3A_225:16 = scf.for %scan3A_247 = %scan3A to %scan3A_223 step %scan3A_224 iter_args(%scan3A_248 = %broadcast_in_dim3A_3, %scan3A_249 = %broadcast_in_dim3A_5, %scan3A_250 = %broadcast_in_dim3A_7, %scan3A_251 = %broadcast_in_dim3A_9, %scan3A_252 = %broadcast_in_dim3A_11, %scan3A_253 = %broadcast_in_dim3A_13, %scan3A_254 = %broadcast_in_dim3A_15, %scan3A_255 = %broadcast_in_dim3A_17, %scan3A_256 = %broadcast_in_dim3A_19, %scan3A_257 = %broadcast_in_dim3A_21, %scan3A_258 = %broadcast_in_dim3A_23, %scan3A_259 = %broadcast_in_dim3A_25, %scan3A_260 = %broadcast_in_dim3A_27, %scan3A_261 = %broadcast_in_dim3A_29, %scan3A_262 = %broadcast_in_dim3A_31, %scan3A_263 = %broadcast_in_dim3A_33) -> (vector<16xf32>, vector<16xf32>, vector<16xf32>, vector<16xf32>, vector<16xf32>, vector<16xf32>, vector<16xf32>, vector<16xf32>, vector<16xf32>, vector<16xf32>, vector<16xf32>, vector<16xf32>, vector<16xf32>, vector<16xf32>, vector<16xf32>, vector<16xf32>)  : i32 {
      %mul3A_264 = arith.constant 2 : i32
      %mul3A_265 = arith.muli %mul3A_264, %scan3A_247 : i32
      %add3A_266 = arith.constant 0 : i32
      %add3A_267 = arith.addi %mul3A_265, %add3A_266 : i32
      %dma_wait3A = arith.constant 0 : i32
      %dma_wait3A_268 = arith.constant 0 : i32
      %dma_wait3A_269 = arith.constant 0 : i32
      %dma_wait3A_270 = arith.constant 0 : i32
      %dma_wait3A_271 = arith.constant 0 : i32
      %dma_wait3A_272 = tpu.memref_slice %arg6[%dma_wait3A, %dma_wait3A_269, %dma_wait3A_270, %dma_wait3A_271] : memref<2x4x128x64xf32, #tpu.memory_space<vmem>> -> memref<1x4x128x64xf32, #tpu.memory_space<vmem>>
      %dma_wait3A_273 = tpu.memref_squeeze %dma_wait3A_272 : memref<1x4x128x64xf32, #tpu.memory_space<vmem>> -> memref<4x128x64xf32, #tpu.memory_space<vmem>>
      %dma_wait3A_274 = arith.constant 0 : i32
      %dma_wait3A_275 = arith.constant 0 : i32
      %dma_wait3A_276 = tpu.memref_slice %dma_wait3A_273[%dma_wait3A_268, %dma_wait3A_274, %dma_wait3A_275] : memref<4x128x64xf32, #tpu.memory_space<vmem>> -> memref<1x128x64xf32, #tpu.memory_space<vmem>>
      %dma_wait3A_277 = tpu.memref_squeeze %dma_wait3A_276 : memref<1x128x64xf32, #tpu.memory_space<vmem>> -> memref<128x64xf32, #tpu.memory_space<vmem>>
      %dma_wait3A_278 = arith.constant 0 : i32
      %dma_wait3A_279 = arith.constant 0 : i32
      %dma_wait3A_280 = tpu.memref_slice %arg3[%dma_wait3A_278, %dma_wait3A_279] : memref<1000000x64xf32, #tpu.memory_space<hbm>> -> memref<128x64xf32, #tpu.memory_space<hbm>>
      %dma_wait3A_281 = arith.constant 0 : i32
      %dma_wait3A_282 = arith.constant 0 : i32
      %dma_wait3A_283 = arith.constant 0 : i32
      %dma_wait3A_284 = tpu.memref_slice %arg6[%dma_wait3A, %dma_wait3A_281, %dma_wait3A_282, %dma_wait3A_283] : memref<2x4x128x64xf32, #tpu.memory_space<vmem>> -> memref<1x4x128x64xf32, #tpu.memory_space<vmem>>
      %dma_wait3A_285 = tpu.memref_squeeze %dma_wait3A_284 : memref<1x4x128x64xf32, #tpu.memory_space<vmem>> -> memref<4x128x64xf32, #tpu.memory_space<vmem>>
      %dma_wait3A_286 = arith.constant 0 : i32
      %dma_wait3A_287 = arith.constant 0 : i32
      %dma_wait3A_288 = tpu.memref_slice %dma_wait3A_285[%dma_wait3A_268, %dma_wait3A_286, %dma_wait3A_287] : memref<4x128x64xf32, #tpu.memory_space<vmem>> -> memref<1x128x64xf32, #tpu.memory_space<vmem>>
      %dma_wait3A_289 = tpu.memref_squeeze %dma_wait3A_288 : memref<1x128x64xf32, #tpu.memory_space<vmem>> -> memref<128x64xf32, #tpu.memory_space<vmem>>
      %dma_wait3A_290 = arith.constant 0 : i32
      %dma_wait3A_291 = arith.constant 0 : i32
      %dma_wait3A_292 = tpu.memref_slice %arg3[%dma_wait3A_290, %dma_wait3A_291] : memref<1000000x64xf32, #tpu.memory_space<hbm>> -> memref<128x64xf32, #tpu.memory_space<hbm>>
      tpu.wait_dma2 semaphore(%arg8 : memref<!tpu.dma_semaphore, #tpu.memory_space<semaphore_mem>>) src(%dma_wait3A_292 : memref<128x64xf32, #tpu.memory_space<hbm>>) dst(%dma_wait3A_289 : memref<128x64xf32, #tpu.memory_space<vmem>>)
      %dma_wait3A_293 = arith.constant 0 : i32
      %dma_wait3A_294 = arith.constant 1 : i32
      %dma_wait3A_295 = arith.constant 0 : i32
      %dma_wait3A_296 = arith.constant 0 : i32
      %dma_wait3A_297 = arith.constant 0 : i32
      %dma_wait3A_298 = tpu.memref_slice %arg6[%dma_wait3A_293, %dma_wait3A_295, %dma_wait3A_296, %dma_wait3A_297] : memref<2x4x128x64xf32, #tpu.memory_space<vmem>> -> memref<1x4x128x64xf32, #tpu.memory_space<vmem>>
      %dma_wait3A_299 = tpu.memref_squeeze %dma_wait3A_298 : memref<1x4x128x64xf32, #tpu.memory_space<vmem>> -> memref<4x128x64xf32, #tpu.memory_space<vmem>>
      %dma_wait3A_300 = arith.constant 0 : i32
      %dma_wait3A_301 = arith.constant 0 : i32
      %dma_wait3A_302 = tpu.memref_slice %dma_wait3A_299[%dma_wait3A_294, %dma_wait3A_300, %dma_wait3A_301] : memref<4x128x64xf32, #tpu.memory_space<vmem>> -> memref<1x128x64xf32, #tpu.memory_space<vmem>>
      %dma_wait3A_303 = tpu.memref_squeeze %dma_wait3A_302 : memref<1x128x64xf32, #tpu.memory_space<vmem>> -> memref<128x64xf32, #tpu.memory_space<vmem>>
      %dma_wait3A_304 = arith.constant 0 : i32
      %dma_wait3A_305 = arith.constant 0 : i32
      %dma_wait3A_306 = tpu.memref_slice %arg3[%dma_wait3A_304, %dma_wait3A_305] : memref<1000000x64xf32, #tpu.memory_space<hbm>> -> memref<128x64xf32, #tpu.memory_space<hbm>>
      %dma_wait3A_307 = arith.constant 0 : i32
      %dma_wait3A_308 = arith.constant 0 : i32
      %dma_wait3A_309 = arith.constant 0 : i32
      %dma_wait3A_310 = tpu.memref_slice %arg6[%dma_wait3A_293, %dma_wait3A_307, %dma_wait3A_308, %dma_wait3A_309] : memref<2x4x128x64xf32, #tpu.memory_space<vmem>> -> memref<1x4x128x64xf32, #tpu.memory_space<vmem>>
      %dma_wait3A_311 = tpu.memref_squeeze %dma_wait3A_310 : memref<1x4x128x64xf32, #tpu.memory_space<vmem>> -> memref<4x128x64xf32, #tpu.memory_space<vmem>>
      %dma_wait3A_312 = arith.constant 0 : i32
      %dma_wait3A_313 = arith.constant 0 : i32
      %dma_wait3A_314 = tpu.memref_slice %dma_wait3A_311[%dma_wait3A_294, %dma_wait3A_312, %dma_wait3A_313] : memref<4x128x64xf32, #tpu.memory_space<vmem>> -> memref<1x128x64xf32, #tpu.memory_space<vmem>>
      %dma_wait3A_315 = tpu.memref_squeeze %dma_wait3A_314 : memref<1x128x64xf32, #tpu.memory_space<vmem>> -> memref<128x64xf32, #tpu.memory_space<vmem>>
      %dma_wait3A_316 = arith.constant 0 : i32
      %dma_wait3A_317 = arith.constant 0 : i32
      %dma_wait3A_318 = tpu.memref_slice %arg3[%dma_wait3A_316, %dma_wait3A_317] : memref<1000000x64xf32, #tpu.memory_space<hbm>> -> memref<128x64xf32, #tpu.memory_space<hbm>>
      tpu.wait_dma2 semaphore(%arg8 : memref<!tpu.dma_semaphore, #tpu.memory_space<semaphore_mem>>) src(%dma_wait3A_318 : memref<128x64xf32, #tpu.memory_space<hbm>>) dst(%dma_wait3A_315 : memref<128x64xf32, #tpu.memory_space<vmem>>)
      %dma_wait3A_319 = arith.constant 0 : i32
      %dma_wait3A_320 = arith.constant 2 : i32
      %dma_wait3A_321 = arith.constant 0 : i32
      %dma_wait3A_322 = arith.constant 0 : i32
      %dma_wait3A_323 = arith.constant 0 : i32
      %dma_wait3A_324 = tpu.memref_slice %arg6[%dma_wait3A_319, %dma_wait3A_321, %dma_wait3A_322, %dma_wait3A_323] : memref<2x4x128x64xf32, #tpu.memory_space<vmem>> -> memref<1x4x128x64xf32, #tpu.memory_space<vmem>>
      %dma_wait3A_325 = tpu.memref_squeeze %dma_wait3A_324 : memref<1x4x128x64xf32, #tpu.memory_space<vmem>> -> memref<4x128x64xf32, #tpu.memory_space<vmem>>
      %dma_wait3A_326 = arith.constant 0 : i32
      %dma_wait3A_327 = arith.constant 0 : i32
      %dma_wait3A_328 = tpu.memref_slice %dma_wait3A_325[%dma_wait3A_320, %dma_wait3A_326, %dma_wait3A_327] : memref<4x128x64xf32, #tpu.memory_space<vmem>> -> memref<1x128x64xf32, #tpu.memory_space<vmem>>
      %dma_wait3A_329 = tpu.memref_squeeze %dma_wait3A_328 : memref<1x128x64xf32, #tpu.memory_space<vmem>> -> memref<128x64xf32, #tpu.memory_space<vmem>>
      %dma_wait3A_330 = arith.constant 0 : i32
      %dma_wait3A_331 = arith.constant 0 : i32
      %dma_wait3A_332 = tpu.memref_slice %arg3[%dma_wait3A_330, %dma_wait3A_331] : memref<1000000x64xf32, #tpu.memory_space<hbm>> -> memref<128x64xf32, #tpu.memory_space<hbm>>
      %dma_wait3A_333 = arith.constant 0 : i32
      %dma_wait3A_334 = arith.constant 0 : i32
      %dma_wait3A_335 = arith.constant 0 : i32
      %dma_wait3A_336 = tpu.memref_slice %arg6[%dma_wait3A_319, %dma_wait3A_333, %dma_wait3A_334, %dma_wait3A_335] : memref<2x4x128x64xf32, #tpu.memory_space<vmem>> -> memref<1x4x128x64xf32, #tpu.memory_space<vmem>>
      %dma_wait3A_337 = tpu.memref_squeeze %dma_wait3A_336 : memref<1x4x128x64xf32, #tpu.memory_space<vmem>> -> memref<4x128x64xf32, #tpu.memory_space<vmem>>
      %dma_wait3A_338 = arith.constant 0 : i32
      %dma_wait3A_339 = arith.constant 0 : i32
      %dma_wait3A_340 = tpu.memref_slice %dma_wait3A_337[%dma_wait3A_320, %dma_wait3A_338, %dma_wait3A_339] : memref<4x128x64xf32, #tpu.memory_space<vmem>> -> memref<1x128x64xf32, #tpu.memory_space<vmem>>
      %dma_wait3A_341 = tpu.memref_squeeze %dma_wait3A_340 : memref<1x128x64xf32, #tpu.memory_space<vmem>> -> memref<128x64xf32, #tpu.memory_space<vmem>>
      %dma_wait3A_342 = arith.constant 0 : i32
      %dma_wait3A_343 = arith.constant 0 : i32
      %dma_wait3A_344 = tpu.memref_slice %arg3[%dma_wait3A_342, %dma_wait3A_343] : memref<1000000x64xf32, #tpu.memory_space<hbm>> -> memref<128x64xf32, #tpu.memory_space<hbm>>
      tpu.wait_dma2 semaphore(%arg8 : memref<!tpu.dma_semaphore, #tpu.memory_space<semaphore_mem>>) src(%dma_wait3A_344 : memref<128x64xf32, #tpu.memory_space<hbm>>) dst(%dma_wait3A_341 : memref<128x64xf32, #tpu.memory_space<vmem>>)
      %dma_wait3A_345 = arith.constant 0 : i32
      %dma_wait3A_346 = arith.constant 3 : i32
      %dma_wait3A_347 = arith.constant 0 : i32
      %dma_wait3A_348 = arith.constant 0 : i32
      %dma_wait3A_349 = arith.constant 0 : i32
      %dma_wait3A_350 = tpu.memref_slice %arg6[%dma_wait3A_345, %dma_wait3A_347, %dma_wait3A_348, %dma_wait3A_349] : memref<2x4x128x64xf32, #tpu.memory_space<vmem>> -> memref<1x4x128x64xf32, #tpu.memory_space<vmem>>
      %dma_wait3A_351 = tpu.memref_squeeze %dma_wait3A_350 : memref<1x4x128x64xf32, #tpu.memory_space<vmem>> -> memref<4x128x64xf32, #tpu.memory_space<vmem>>
      %dma_wait3A_352 = arith.constant 0 : i32
      %dma_wait3A_353 = arith.constant 0 : i32
      %dma_wait3A_354 = tpu.memref_slice %dma_wait3A_351[%dma_wait3A_346, %dma_wait3A_352, %dma_wait3A_353] : memref<4x128x64xf32, #tpu.memory_space<vmem>> -> memref<1x128x64xf32, #tpu.memory_space<vmem>>
      %dma_wait3A_355 = tpu.memref_squeeze %dma_wait3A_354 : memref<1x128x64xf32, #tpu.memory_space<vmem>> -> memref<128x64xf32, #tpu.memory_space<vmem>>
      %dma_wait3A_356 = arith.constant 0 : i32
      %dma_wait3A_357 = arith.constant 0 : i32
      %dma_wait3A_358 = tpu.memref_slice %arg3[%dma_wait3A_356, %dma_wait3A_357] : memref<1000000x64xf32, #tpu.memory_space<hbm>> -> memref<128x64xf32, #tpu.memory_space<hbm>>
      %dma_wait3A_359 = arith.constant 0 : i32
      %dma_wait3A_360 = arith.constant 0 : i32
      %dma_wait3A_361 = arith.constant 0 : i32
      %dma_wait3A_362 = tpu.memref_slice %arg6[%dma_wait3A_345, %dma_wait3A_359, %dma_wait3A_360, %dma_wait3A_361] : memref<2x4x128x64xf32, #tpu.memory_space<vmem>> -> memref<1x4x128x64xf32, #tpu.memory_space<vmem>>
      %dma_wait3A_363 = tpu.memref_squeeze %dma_wait3A_362 : memref<1x4x128x64xf32, #tpu.memory_space<vmem>> -> memref<4x128x64xf32, #tpu.memory_space<vmem>>
      %dma_wait3A_364 = arith.constant 0 : i32
      %dma_wait3A_365 = arith.constant 0 : i32
      %dma_wait3A_366 = tpu.memref_slice %dma_wait3A_363[%dma_wait3A_346, %dma_wait3A_364, %dma_wait3A_365] : memref<4x128x64xf32, #tpu.memory_space<vmem>> -> memref<1x128x64xf32, #tpu.memory_space<vmem>>
      %dma_wait3A_367 = tpu.memref_squeeze %dma_wait3A_366 : memref<1x128x64xf32, #tpu.memory_space<vmem>> -> memref<128x64xf32, #tpu.memory_space<vmem>>
      %dma_wait3A_368 = arith.constant 0 : i32
      %dma_wait3A_369 = arith.constant 0 : i32
      %dma_wait3A_370 = tpu.memref_slice %arg3[%dma_wait3A_368, %dma_wait3A_369] : memref<1000000x64xf32, #tpu.memory_space<hbm>> -> memref<128x64xf32, #tpu.memory_space<hbm>>
      tpu.wait_dma2 semaphore(%arg8 : memref<!tpu.dma_semaphore, #tpu.memory_space<semaphore_mem>>) src(%dma_wait3A_370 : memref<128x64xf32, #tpu.memory_space<hbm>>) dst(%dma_wait3A_367 : memref<128x64xf32, #tpu.memory_space<vmem>>)
      %scan3A_371 = arith.constant 0 : i32
      %scan3A_372 = arith.constant 128 : i32
      %scan3A_373 = arith.addi %scan3A_371, %scan3A_372 : i32
      %scan3A_374 = arith.constant 1 : i32
      %scan3A_375:16 = scf.for %scan3A_502 = %scan3A_371 to %scan3A_373 step %scan3A_374 iter_args(%scan3A_503 = %scan3A_248, %scan3A_504 = %scan3A_249, %scan3A_505 = %scan3A_250, %scan3A_506 = %scan3A_251, %scan3A_507 = %scan3A_252, %scan3A_508 = %scan3A_253, %scan3A_509 = %scan3A_254, %scan3A_510 = %scan3A_255, %scan3A_511 = %scan3A_256, %scan3A_512 = %scan3A_257, %scan3A_513 = %scan3A_258, %scan3A_514 = %scan3A_259, %scan3A_515 = %scan3A_260, %scan3A_516 = %scan3A_261, %scan3A_517 = %scan3A_262, %scan3A_518 = %scan3A_263) -> (vector<16xf32>, vector<16xf32>, vector<16xf32>, vector<16xf32>, vector<16xf32>, vector<16xf32>, vector<16xf32>, vector<16xf32>, vector<16xf32>, vector<16xf32>, vector<16xf32>, vector<16xf32>, vector<16xf32>, vector<16xf32>, vector<16xf32>, vector<16xf32>)  : i32 {
        %get3A = arith.constant 0 : i32
        %get3A_519 = arith.constant 0 : i32
        %get3A_520 = arith.index_cast %get3A : i32 to index
        %get3A_521 = arith.index_cast %get3A_519 : i32 to index
        %get3A_522 = arith.index_cast %scan3A_502 : i32 to index
        %get3A_523 = arith.constant 0 : index
        %get3A_524 = tpu.vector_load %arg6[%get3A_520, %get3A_521, %get3A_522, %get3A_523] {strides = array<i32>} : memref<2x4x128x64xf32, #tpu.memory_space<vmem>>, vector<1x1x1x16xf32>,
        %get3A_525 = vector.shape_cast %get3A_524 : vector<1x1x1x16xf32> to vector<16xf32>
        %add3A_526 = arith.addf %scan3A_503, %get3A_525 : vector<16xf32>
        %get3A_527 = arith.constant 0 : i32
        %get3A_528 = arith.constant 0 : i32
        %get3A_529 = arith.index_cast %get3A_527 : i32 to index
        %get3A_530 = arith.index_cast %get3A_528 : i32 to index
        %get3A_531 = arith.index_cast %scan3A_502 : i32 to index
        %get3A_532 = arith.constant 16 : index
        %get3A_533 = tpu.vector_load %arg6[%get3A_529, %get3A_530, %get3A_531, %get3A_532] {strides = array<i32>} : memref<2x4x128x64xf32, #tpu.memory_space<vmem>>, vector<1x1x1x16xf32>,
        %get3A_534 = vector.shape_cast %get3A_533 : vector<1x1x1x16xf32> to vector<16xf32>
        %add3A_535 = arith.addf %scan3A_504, %get3A_534 : vector<16xf32>
        %get3A_536 = arith.constant 0 : i32
        %get3A_537 = arith.constant 0 : i32
        %get3A_538 = arith.index_cast %get3A_536 : i32 to index
        %get3A_539 = arith.index_cast %get3A_537 : i32 to index
        %get3A_540 = arith.index_cast %scan3A_502 : i32 to index
        %get3A_541 = arith.constant 32 : index
        %get3A_542 = tpu.vector_load %arg6[%get3A_538, %get3A_539, %get3A_540, %get3A_541] {strides = array<i32>} : memref<2x4x128x64xf32, #tpu.memory_space<vmem>>, vector<1x1x1x16xf32>,
        %get3A_543 = vector.shape_cast %get3A_542 : vector<1x1x1x16xf32> to vector<16xf32>
        %add3A_544 = arith.addf %scan3A_505, %get3A_543 : vector<16xf32>
        %get3A_545 = arith.constant 0 : i32
        %get3A_546 = arith.constant 0 : i32
        %get3A_547 = arith.index_cast %get3A_545 : i32 to index
        %get3A_548 = arith.index_cast %get3A_546 : i32 to index
        %get3A_549 = arith.index_cast %scan3A_502 : i32 to index
        %get3A_550 = arith.constant 48 : index
        %get3A_551 = tpu.vector_load %arg6[%get3A_547, %get3A_548, %get3A_549, %get3A_550] {strides = array<i32>} : memref<2x4x128x64xf32, #tpu.memory_space<vmem>>, vector<1x1x1x16xf32>,
        %get3A_552 = vector.shape_cast %get3A_551 : vector<1x1x1x16xf32> to vector<16xf32>
        %add3A_553 = arith.addf %scan3A_506, %get3A_552 : vector<16xf32>
        %get3A_554 = arith.constant 0 : i32
        %get3A_555 = arith.constant 1 : i32
        %get3A_556 = arith.index_cast %get3A_554 : i32 to index
        %get3A_557 = arith.index_cast %get3A_555 : i32 to index
        %get3A_558 = arith.index_cast %scan3A_502 : i32 to index
        %get3A_559 = arith.constant 0 : index
        %get3A_560 = tpu.vector_load %arg6[%get3A_556, %get3A_557, %get3A_558, %get3A_559] {strides = array<i32>} : memref<2x4x128x64xf32, #tpu.memory_space<vmem>>, vector<1x1x1x16xf32>,
        %get3A_561 = vector.shape_cast %get3A_560 : vector<1x1x1x16xf32> to vector<16xf32>
        %add3A_562 = arith.addf %scan3A_507, %get3A_561 : vector<16xf32>
        %get3A_563 = arith.constant 0 : i32
        %get3A_564 = arith.constant 1 : i32
        %get3A_565 = arith.index_cast %get3A_563 : i32 to index
        %get3A_566 = arith.index_cast %get3A_564 : i32 to index
        %get3A_567 = arith.index_cast %scan3A_502 : i32 to index
        %get3A_568 = arith.constant 16 : index
        %get3A_569 = tpu.vector_load %arg6[%get3A_565, %get3A_566, %get3A_567, %get3A_568] {strides = array<i32>} : memref<2x4x128x64xf32, #tpu.memory_space<vmem>>, vector<1x1x1x16xf32>,
        %get3A_570 = vector.shape_cast %get3A_569 : vector<1x1x1x16xf32> to vector<16xf32>
        %add3A_571 = arith.addf %scan3A_508, %get3A_570 : vector<16xf32>
        %get3A_572 = arith.constant 0 : i32
        %get3A_573 = arith.constant 1 : i32
        %get3A_574 = arith.index_cast %get3A_572 : i32 to index
        %get3A_575 = arith.index_cast %get3A_573 : i32 to index
        %get3A_576 = arith.index_cast %scan3A_502 : i32 to index
        %get3A_577 = arith.constant 32 : index
        %get3A_578 = tpu.vector_load %arg6[%get3A_574, %get3A_575, %get3A_576, %get3A_577] {strides = array<i32>} : memref<2x4x128x64xf32, #tpu.memory_space<vmem>>, vector<1x1x1x16xf32>,
        %get3A_579 = vector.shape_cast %get3A_578 : vector<1x1x1x16xf32> to vector<16xf32>
        %add3A_580 = arith.addf %scan3A_509, %get3A_579 : vector<16xf32>
        %get3A_581 = arith.constant 0 : i32
        %get3A_582 = arith.constant 1 : i32
        %get3A_583 = arith.index_cast %get3A_581 : i32 to index
        %get3A_584 = arith.index_cast %get3A_582 : i32 to index
        %get3A_585 = arith.index_cast %scan3A_502 : i32 to index
        %get3A_586 = arith.constant 48 : index
        %get3A_587 = tpu.vector_load %arg6[%get3A_583, %get3A_584, %get3A_585, %get3A_586] {strides = array<i32>} : memref<2x4x128x64xf32, #tpu.memory_space<vmem>>, vector<1x1x1x16xf32>,
        %get3A_588 = vector.shape_cast %get3A_587 : vector<1x1x1x16xf32> to vector<16xf32>
        %add3A_589 = arith.addf %scan3A_510, %get3A_588 : vector<16xf32>
        %get3A_590 = arith.constant 0 : i32
        %get3A_591 = arith.constant 2 : i32
        %get3A_592 = arith.index_cast %get3A_590 : i32 to index
        %get3A_593 = arith.index_cast %get3A_591 : i32 to index
        %get3A_594 = arith.index_cast %scan3A_502 : i32 to index
        %get3A_595 = arith.constant 0 : index
        %get3A_596 = tpu.vector_load %arg6[%get3A_592, %get3A_593, %get3A_594, %get3A_595] {strides = array<i32>} : memref<2x4x128x64xf32, #tpu.memory_space<vmem>>, vector<1x1x1x16xf32>,
        %get3A_597 = vector.shape_cast %get3A_596 : vector<1x1x1x16xf32> to vector<16xf32>
        %add3A_598 = arith.addf %scan3A_511, %get3A_597 : vector<16xf32>
        %get3A_599 = arith.constant 0 : i32
        %get3A_600 = arith.constant 2 : i32
        %get3A_601 = arith.index_cast %get3A_599 : i32 to index
        %get3A_602 = arith.index_cast %get3A_600 : i32 to index
        %get3A_603 = arith.index_cast %scan3A_502 : i32 to index
        %get3A_604 = arith.constant 16 : index
        %get3A_605 = tpu.vector_load %arg6[%get3A_601, %get3A_602, %get3A_603, %get3A_604] {strides = array<i32>} : memref<2x4x128x64xf32, #tpu.memory_space<vmem>>, vector<1x1x1x16xf32>,
        %get3A_606 = vector.shape_cast %get3A_605 : vector<1x1x1x16xf32> to vector<16xf32>
        %add3A_607 = arith.addf %scan3A_512, %get3A_606 : vector<16xf32>
        %get3A_608 = arith.constant 0 : i32
        %get3A_609 = arith.constant 2 : i32
        %get3A_610 = arith.index_cast %get3A_608 : i32 to index
        %get3A_611 = arith.index_cast %get3A_609 : i32 to index
        %get3A_612 = arith.index_cast %scan3A_502 : i32 to index
        %get3A_613 = arith.constant 32 : index
        %get3A_614 = tpu.vector_load %arg6[%get3A_610, %get3A_611, %get3A_612, %get3A_613] {strides = array<i32>} : memref<2x4x128x64xf32, #tpu.memory_space<vmem>>, vector<1x1x1x16xf32>,
        %get3A_615 = vector.shape_cast %get3A_614 : vector<1x1x1x16xf32> to vector<16xf32>
        %add3A_616 = arith.addf %scan3A_513, %get3A_615 : vector<16xf32>
        %get3A_617 = arith.constant 0 : i32
        %get3A_618 = arith.constant 2 : i32
        %get3A_619 = arith.index_cast %get3A_617 : i32 to index
        %get3A_620 = arith.index_cast %get3A_618 : i32 to index
        %get3A_621 = arith.index_cast %scan3A_502 : i32 to index
        %get3A_622 = arith.constant 48 : index
        %get3A_623 = tpu.vector_load %arg6[%get3A_619, %get3A_620, %get3A_621, %get3A_622] {strides = array<i32>} : memref<2x4x128x64xf32, #tpu.memory_space<vmem>>, vector<1x1x1x16xf32>,
        %get3A_624 = vector.shape_cast %get3A_623 : vector<1x1x1x16xf32> to vector<16xf32>
        %add3A_625 = arith.addf %scan3A_514, %get3A_624 : vector<16xf32>
        %get3A_626 = arith.constant 0 : i32
        %get3A_627 = arith.constant 3 : i32
        %get3A_628 = arith.index_cast %get3A_626 : i32 to index
        %get3A_629 = arith.index_cast %get3A_627 : i32 to index
        %get3A_630 = arith.index_cast %scan3A_502 : i32 to index
        %get3A_631 = arith.constant 0 : index
        %get3A_632 = tpu.vector_load %arg6[%get3A_628, %get3A_629, %get3A_630, %get3A_631] {strides = array<i32>} : memref<2x4x128x64xf32, #tpu.memory_space<vmem>>, vector<1x1x1x16xf32>,
        %get3A_633 = vector.shape_cast %get3A_632 : vector<1x1x1x16xf32> to vector<16xf32>
        %add3A_634 = arith.addf %scan3A_515, %get3A_633 : vector<16xf32>
        %get3A_635 = arith.constant 0 : i32
        %get3A_636 = arith.constant 3 : i32
        %get3A_637 = arith.index_cast %get3A_635 : i32 to index
        %get3A_638 = arith.index_cast %get3A_636 : i32 to index
        %get3A_639 = arith.index_cast %scan3A_502 : i32 to index
        %get3A_640 = arith.constant 16 : index
        %get3A_641 = tpu.vector_load %arg6[%get3A_637, %get3A_638, %get3A_639, %get3A_640] {strides = array<i32>} : memref<2x4x128x64xf32, #tpu.memory_space<vmem>>, vector<1x1x1x16xf32>,
        %get3A_642 = vector.shape_cast %get3A_641 : vector<1x1x1x16xf32> to vector<16xf32>
        %add3A_643 = arith.addf %scan3A_516, %get3A_642 : vector<16xf32>
        %get3A_644 = arith.constant 0 : i32
        %get3A_645 = arith.constant 3 : i32
        %get3A_646 = arith.index_cast %get3A_644 : i32 to index
        %get3A_647 = arith.index_cast %get3A_645 : i32 to index
        %get3A_648 = arith.index_cast %scan3A_502 : i32 to index
        %get3A_649 = arith.constant 32 : index
        %get3A_650 = tpu.vector_load %arg6[%get3A_646, %get3A_647, %get3A_648, %get3A_649] {strides = array<i32>} : memref<2x4x128x64xf32, #tpu.memory_space<vmem>>, vector<1x1x1x16xf32>,
        %get3A_651 = vector.shape_cast %get3A_650 : vector<1x1x1x16xf32> to vector<16xf32>
        %add3A_652 = arith.addf %scan3A_517, %get3A_651 : vector<16xf32>
        %get3A_653 = arith.constant 0 : i32
        %get3A_654 = arith.constant 3 : i32
        %get3A_655 = arith.index_cast %get3A_653 : i32 to index
        %get3A_656 = arith.index_cast %get3A_654 : i32 to index
        %get3A_657 = arith.index_cast %scan3A_502 : i32 to index
        %get3A_658 = arith.constant 48 : index
        %get3A_659 = tpu.vector_load %arg6[%get3A_655, %get3A_656, %get3A_657, %get3A_658] {strides = array<i32>} : memref<2x4x128x64xf32, #tpu.memory_space<vmem>>, vector<1x1x1x16xf32>,
        %get3A_660 = vector.shape_cast %get3A_659 : vector<1x1x1x16xf32> to vector<16xf32>
        %add3A_661 = arith.addf %scan3A_518, %get3A_660 : vector<16xf32>
        scf.yield %add3A_526, %add3A_535, %add3A_544, %add3A_553, %add3A_562, %add3A_571, %add3A_580, %add3A_589, %add3A_598, %add3A_607, %add3A_616, %add3A_625, %add3A_634, %add3A_643, %add3A_652, %add3A_661 : vector<16xf32>, vector<16xf32>, vector<16xf32>, vector<16xf32>, vector<16xf32>, vector<16xf32>, vector<16xf32>, vector<16xf32>, vector<16xf32>, vector<16xf32>, vector<16xf32>, vector<16xf32>, vector<16xf32>, vector<16xf32>, vector<16xf32>, vector<16xf32>
      }
      %scan3A_376 = arith.constant 128 : i32
      %add3A_377 = arith.constant 2 : i32
      %add3A_378 = arith.addi %add3A_267, %add3A_377 : i32
      %lt3A = arith.constant 50 : i32
      %lt3A_379 = arith.cmpi slt, %add3A_378, %lt3A : i32
      %convert_element_type3A = arith.extui %lt3A_379 : i1 to i32
      %cond3A = arith.constant 0 : i32
      %cond3A_380 = arith.cmpi ne, %convert_element_type3A, %cond3A : i32
      scf.if %cond3A_380 {
        %add3A_502 = arith.constant 2 : i32
        %add3A_503 = arith.addi %add3A_267, %add3A_502 : i32
        %mul3A_504 = arith.constant 4 : i32
        %mul3A_505 = arith.muli %add3A_503, %mul3A_504 : i32
        %add3A_506 = arith.addi %mul3A_2, %mul3A_505 : i32
        %run_scoped3A_507 = arith.constant 0 : i32
        "tpu.region"() ({
          %run_scoped3A_600 = tpu.sem_alloc : memref<!tpu.dma_semaphore, #tpu.memory_space<semaphore_mem>>
          %dma_start3A_601 = arith.constant 0 : i32
          %dma_start3A_602 = arith.constant 0 : i32
          %dma_start3A_603 = tpu.memref_slice %arg5[%run_scoped3A_507, %dma_start3A_601, %dma_start3A_602] : memref<2x4x128xi32, #tpu.memory_space<vmem>> -> memref<1x4x128xi32, #tpu.memory_space<vmem>>
          %dma_start3A_604 = tpu.memref_squeeze %dma_start3A_603 : memref<1x4x128xi32, #tpu.memory_space<vmem>> -> memref<4x128xi32, #tpu.memory_space<vmem>>
          %dma_start3A_605 = arith.constant 0 : i32
          %dma_start3A_606 = tpu.memref_slice %arg2[%add3A_506, %dma_start3A_605] : memref<6400x128xi32, #tpu.memory_space<hbm>> -> memref<4x128xi32, #tpu.memory_space<hbm>>
          %dma_start3A_607 = arith.constant 0 : i32
          %dma_start3A_608 = arith.constant 0 : i32
          %dma_start3A_609 = tpu.memref_slice %arg5[%run_scoped3A_507, %dma_start3A_607, %dma_start3A_608] : memref<2x4x128xi32, #tpu.memory_space<vmem>> -> memref<1x4x128xi32, #tpu.memory_space<vmem>>
          %dma_start3A_610 = tpu.memref_squeeze %dma_start3A_609 : memref<1x4x128xi32, #tpu.memory_space<vmem>> -> memref<4x128xi32, #tpu.memory_space<vmem>>
          %dma_start3A_611 = arith.constant 0 : i32
          %dma_start3A_612 = tpu.memref_slice %arg2[%add3A_506, %dma_start3A_611] : memref<6400x128xi32, #tpu.memory_space<hbm>> -> memref<4x128xi32, #tpu.memory_space<hbm>>
          tpu.enqueue_dma source(%dma_start3A_612 : memref<4x128xi32, #tpu.memory_space<hbm>>) target(%dma_start3A_610 : memref<4x128xi32, #tpu.memory_space<vmem>>) target_semaphore(%run_scoped3A_600 : memref<!tpu.dma_semaphore, #tpu.memory_space<semaphore_mem>>)
          %dma_wait3A_613 = arith.constant 0 : i32
          %dma_wait3A_614 = arith.constant 0 : i32
          %dma_wait3A_615 = tpu.memref_slice %arg5[%run_scoped3A_507, %dma_wait3A_613, %dma_wait3A_614] : memref<2x4x128xi32, #tpu.memory_space<vmem>> -> memref<1x4x128xi32, #tpu.memory_space<vmem>>
          %dma_wait3A_616 = tpu.memref_squeeze %dma_wait3A_615 : memref<1x4x128xi32, #tpu.memory_space<vmem>> -> memref<4x128xi32, #tpu.memory_space<vmem>>
          %dma_wait3A_617 = arith.constant 0 : i32
          %dma_wait3A_618 = tpu.memref_slice %arg2[%add3A_506, %dma_wait3A_617] : memref<6400x128xi32, #tpu.memory_space<hbm>> -> memref<4x128xi32, #tpu.memory_space<hbm>>
          %dma_wait3A_619 = arith.constant 0 : i32
          %dma_wait3A_620 = arith.constant 0 : i32
          %dma_wait3A_621 = tpu.memref_slice %arg5[%run_scoped3A_507, %dma_wait3A_619, %dma_wait3A_620] : memref<2x4x128xi32, #tpu.memory_space<vmem>> -> memref<1x4x128xi32, #tpu.memory_space<vmem>>
          %dma_wait3A_622 = tpu.memref_squeeze %dma_wait3A_621 : memref<1x4x128xi32, #tpu.memory_space<vmem>> -> memref<4x128xi32, #tpu.memory_space<vmem>>
          %dma_wait3A_623 = arith.constant 0 : i32
          %dma_wait3A_624 = tpu.memref_slice %arg2[%add3A_506, %dma_wait3A_623] : memref<6400x128xi32, #tpu.memory_space<hbm>> -> memref<4x128xi32, #tpu.memory_space<hbm>>
          tpu.wait_dma2 semaphore(%run_scoped3A_600 : memref<!tpu.dma_semaphore, #tpu.memory_space<semaphore_mem>>) src(%dma_wait3A_624 : memref<4x128xi32, #tpu.memory_space<hbm>>) dst(%dma_wait3A_622 : memref<4x128xi32, #tpu.memory_space<vmem>>)
          tpu.yield
        }) : () -> ()
        %dma_start3A_508 = arith.constant 0 : i32
        %dma_start3A_509 = arith.constant 0 : i32
        %dma_start3A_510 = arith.constant 0 : i32
        %dma_start3A_511 = arith.constant 0 : i32
        %dma_start3A_512 = arith.constant 0 : i32
        %dma_start3A_513 = arith.constant 0 : i32
        %dma_start3A_514 = arith.constant 0 : i32
        %dma_start3A_515 = tpu.memref_slice %arg6[%dma_start3A_510, %dma_start3A_512, %dma_start3A_513, %dma_start3A_514] : memref<2x4x128x64xf32, #tpu.memory_space<vmem>> -> memref<1x4x128x64xf32, #tpu.memory_space<vmem>>
        %dma_start3A_516 = tpu.memref_squeeze %dma_start3A_515 : memref<1x4x128x64xf32, #tpu.memory_space<vmem>> -> memref<4x128x64xf32, #tpu.memory_space<vmem>>
        %dma_start3A_517 = arith.constant 0 : i32
        %dma_start3A_518 = arith.constant 0 : i32
        %dma_start3A_519 = tpu.memref_slice %dma_start3A_516[%dma_start3A_511, %dma_start3A_517, %dma_start3A_518] : memref<4x128x64xf32, #tpu.memory_space<vmem>> -> memref<1x128x64xf32, #tpu.memory_space<vmem>>
        %dma_start3A_520 = tpu.memref_squeeze %dma_start3A_519 : memref<1x128x64xf32, #tpu.memory_space<vmem>> -> memref<128x64xf32, #tpu.memory_space<vmem>>
        %dma_start3A_521 = arith.constant 0 : i32
        %dma_start3A_522 = arith.constant 0 : i32
        %dma_start3A_523 = tpu.memref_slice %arg5[%dma_start3A_508, %dma_start3A_521, %dma_start3A_522] : memref<2x4x128xi32, #tpu.memory_space<vmem>> -> memref<1x4x128xi32, #tpu.memory_space<vmem>>
        %dma_start3A_524 = tpu.memref_squeeze %dma_start3A_523 : memref<1x4x128xi32, #tpu.memory_space<vmem>> -> memref<4x128xi32, #tpu.memory_space<vmem>>
        %dma_start3A_525 = arith.constant 0 : i32
        %dma_start3A_526 = tpu.memref_slice %dma_start3A_524[%dma_start3A_509, %dma_start3A_525] : memref<4x128xi32, #tpu.memory_space<vmem>> -> memref<1x128xi32, #tpu.memory_space<vmem>>
        %dma_start3A_527 = tpu.memref_squeeze %dma_start3A_526 : memref<1x128xi32, #tpu.memory_space<vmem>> -> memref<128xi32, #tpu.memory_space<vmem>>
        %dma_start3A_528 = arith.constant 0 : i32
        %dma_start3A_529 = arith.constant 0 : i32
        %dma_start3A_530 = tpu.memref_slice %arg3[%dma_start3A_528, %dma_start3A_529] : memref<1000000x64xf32, #tpu.memory_space<hbm>> -> memref<1000000x64xf32, #tpu.memory_space<hbm>>
        tpu.enqueue_indirect_dma source(%dma_start3A_530 : memref<1000000x64xf32, #tpu.memory_space<hbm>>) target(%dma_start3A_520 : memref<128x64xf32, #tpu.memory_space<vmem>>) offsets(%dma_start3A_527 : memref<128xi32, #tpu.memory_space<vmem>>) semaphore(%arg8 : memref<!tpu.dma_semaphore, #tpu.memory_space<semaphore_mem>>)
        %dma_start3A_531 = arith.constant 0 : i32
        %dma_start3A_532 = arith.constant 1 : i32
        %dma_start3A_533 = arith.constant 0 : i32
        %dma_start3A_534 = arith.constant 1 : i32
        %dma_start3A_535 = arith.constant 0 : i32
        %dma_start3A_536 = arith.constant 0 : i32
        %dma_start3A_537 = arith.constant 0 : i32
        %dma_start3A_538 = tpu.memref_slice %arg6[%dma_start3A_533, %dma_start3A_535, %dma_start3A_536, %dma_start3A_537] : memref<2x4x128x64xf32, #tpu.memory_space<vmem>> -> memref<1x4x128x64xf32, #tpu.memory_space<vmem>>
        %dma_start3A_539 = tpu.memref_squeeze %dma_start3A_538 : memref<1x4x128x64xf32, #tpu.memory_space<vmem>> -> memref<4x128x64xf32, #tpu.memory_space<vmem>>
        %dma_start3A_540 = arith.constant 0 : i32
        %dma_start3A_541 = arith.constant 0 : i32
        %dma_start3A_542 = tpu.memref_slice %dma_start3A_539[%dma_start3A_534, %dma_start3A_540, %dma_start3A_541] : memref<4x128x64xf32, #tpu.memory_space<vmem>> -> memref<1x128x64xf32, #tpu.memory_space<vmem>>
        %dma_start3A_543 = tpu.memref_squeeze %dma_start3A_542 : memref<1x128x64xf32, #tpu.memory_space<vmem>> -> memref<128x64xf32, #tpu.memory_space<vmem>>
        %dma_start3A_544 = arith.constant 0 : i32
        %dma_start3A_545 = arith.constant 0 : i32
        %dma_start3A_546 = tpu.memref_slice %arg5[%dma_start3A_531, %dma_start3A_544, %dma_start3A_545] : memref<2x4x128xi32, #tpu.memory_space<vmem>> -> memref<1x4x128xi32, #tpu.memory_space<vmem>>
        %dma_start3A_547 = tpu.memref_squeeze %dma_start3A_546 : memref<1x4x128xi32, #tpu.memory_space<vmem>> -> memref<4x128xi32, #tpu.memory_space<vmem>>
        %dma_start3A_548 = arith.constant 0 : i32
        %dma_start3A_549 = tpu.memref_slice %dma_start3A_547[%dma_start3A_532, %dma_start3A_548] : memref<4x128xi32, #tpu.memory_space<vmem>> -> memref<1x128xi32, #tpu.memory_space<vmem>>
        %dma_start3A_550 = tpu.memref_squeeze %dma_start3A_549 : memref<1x128xi32, #tpu.memory_space<vmem>> -> memref<128xi32, #tpu.memory_space<vmem>>
        %dma_start3A_551 = arith.constant 0 : i32
        %dma_start3A_552 = arith.constant 0 : i32
        %dma_start3A_553 = tpu.memref_slice %arg3[%dma_start3A_551, %dma_start3A_552] : memref<1000000x64xf32, #tpu.memory_space<hbm>> -> memref<1000000x64xf32, #tpu.memory_space<hbm>>
        tpu.enqueue_indirect_dma source(%dma_start3A_553 : memref<1000000x64xf32, #tpu.memory_space<hbm>>) target(%dma_start3A_543 : memref<128x64xf32, #tpu.memory_space<vmem>>) offsets(%dma_start3A_550 : memref<128xi32, #tpu.memory_space<vmem>>) semaphore(%arg8 : memref<!tpu.dma_semaphore, #tpu.memory_space<semaphore_mem>>)
        %dma_start3A_554 = arith.constant 0 : i32
        %dma_start3A_555 = arith.constant 2 : i32
        %dma_start3A_556 = arith.constant 0 : i32
        %dma_start3A_557 = arith.constant 2 : i32
        %dma_start3A_558 = arith.constant 0 : i32
        %dma_start3A_559 = arith.constant 0 : i32
        %dma_start3A_560 = arith.constant 0 : i32
        %dma_start3A_561 = tpu.memref_slice %arg6[%dma_start3A_556, %dma_start3A_558, %dma_start3A_559, %dma_start3A_560] : memref<2x4x128x64xf32, #tpu.memory_space<vmem>> -> memref<1x4x128x64xf32, #tpu.memory_space<vmem>>
        %dma_start3A_562 = tpu.memref_squeeze %dma_start3A_561 : memref<1x4x128x64xf32, #tpu.memory_space<vmem>> -> memref<4x128x64xf32, #tpu.memory_space<vmem>>
        %dma_start3A_563 = arith.constant 0 : i32
        %dma_start3A_564 = arith.constant 0 : i32
        %dma_start3A_565 = tpu.memref_slice %dma_start3A_562[%dma_start3A_557, %dma_start3A_563, %dma_start3A_564] : memref<4x128x64xf32, #tpu.memory_space<vmem>> -> memref<1x128x64xf32, #tpu.memory_space<vmem>>
        %dma_start3A_566 = tpu.memref_squeeze %dma_start3A_565 : memref<1x128x64xf32, #tpu.memory_space<vmem>> -> memref<128x64xf32, #tpu.memory_space<vmem>>
        %dma_start3A_567 = arith.constant 0 : i32
        %dma_start3A_568 = arith.constant 0 : i32
        %dma_start3A_569 = tpu.memref_slice %arg5[%dma_start3A_554, %dma_start3A_567, %dma_start3A_568] : memref<2x4x128xi32, #tpu.memory_space<vmem>> -> memref<1x4x128xi32, #tpu.memory_space<vmem>>
        %dma_start3A_570 = tpu.memref_squeeze %dma_start3A_569 : memref<1x4x128xi32, #tpu.memory_space<vmem>> -> memref<4x128xi32, #tpu.memory_space<vmem>>
        %dma_start3A_571 = arith.constant 0 : i32
        %dma_start3A_572 = tpu.memref_slice %dma_start3A_570[%dma_start3A_555, %dma_start3A_571] : memref<4x128xi32, #tpu.memory_space<vmem>> -> memref<1x128xi32, #tpu.memory_space<vmem>>
        %dma_start3A_573 = tpu.memref_squeeze %dma_start3A_572 : memref<1x128xi32, #tpu.memory_space<vmem>> -> memref<128xi32, #tpu.memory_space<vmem>>
        %dma_start3A_574 = arith.constant 0 : i32
        %dma_start3A_575 = arith.constant 0 : i32
        %dma_start3A_576 = tpu.memref_slice %arg3[%dma_start3A_574, %dma_start3A_575] : memref<1000000x64xf32, #tpu.memory_space<hbm>> -> memref<1000000x64xf32, #tpu.memory_space<hbm>>
        tpu.enqueue_indirect_dma source(%dma_start3A_576 : memref<1000000x64xf32, #tpu.memory_space<hbm>>) target(%dma_start3A_566 : memref<128x64xf32, #tpu.memory_space<vmem>>) offsets(%dma_start3A_573 : memref<128xi32, #tpu.memory_space<vmem>>) semaphore(%arg8 : memref<!tpu.dma_semaphore, #tpu.memory_space<semaphore_mem>>)
        %dma_start3A_577 = arith.constant 0 : i32
        %dma_start3A_578 = arith.constant 3 : i32
        %dma_start3A_579 = arith.constant 0 : i32
        %dma_start3A_580 = arith.constant 3 : i32
        %dma_start3A_581 = arith.constant 0 : i32
        %dma_start3A_582 = arith.constant 0 : i32
        %dma_start3A_583 = arith.constant 0 : i32
        %dma_start3A_584 = tpu.memref_slice %arg6[%dma_start3A_579, %dma_start3A_581, %dma_start3A_582, %dma_start3A_583] : memref<2x4x128x64xf32, #tpu.memory_space<vmem>> -> memref<1x4x128x64xf32, #tpu.memory_space<vmem>>
        %dma_start3A_585 = tpu.memref_squeeze %dma_start3A_584 : memref<1x4x128x64xf32, #tpu.memory_space<vmem>> -> memref<4x128x64xf32, #tpu.memory_space<vmem>>
        %dma_start3A_586 = arith.constant 0 : i32
        %dma_start3A_587 = arith.constant 0 : i32
        %dma_start3A_588 = tpu.memref_slice %dma_start3A_585[%dma_start3A_580, %dma_start3A_586, %dma_start3A_587] : memref<4x128x64xf32, #tpu.memory_space<vmem>> -> memref<1x128x64xf32, #tpu.memory_space<vmem>>
        %dma_start3A_589 = tpu.memref_squeeze %dma_start3A_588 : memref<1x128x64xf32, #tpu.memory_space<vmem>> -> memref<128x64xf32, #tpu.memory_space<vmem>>
        %dma_start3A_590 = arith.constant 0 : i32
        %dma_start3A_591 = arith.constant 0 : i32
        %dma_start3A_592 = tpu.memref_slice %arg5[%dma_start3A_577, %dma_start3A_590, %dma_start3A_591] : memref<2x4x128xi32, #tpu.memory_space<vmem>> -> memref<1x4x128xi32, #tpu.memory_space<vmem>>
        %dma_start3A_593 = tpu.memref_squeeze %dma_start3A_592 : memref<1x4x128xi32, #tpu.memory_space<vmem>> -> memref<4x128xi32, #tpu.memory_space<vmem>>
        %dma_start3A_594 = arith.constant 0 : i32
        %dma_start3A_595 = tpu.memref_slice %dma_start3A_593[%dma_start3A_578, %dma_start3A_594] : memref<4x128xi32, #tpu.memory_space<vmem>> -> memref<1x128xi32, #tpu.memory_space<vmem>>
        %dma_start3A_596 = tpu.memref_squeeze %dma_start3A_595 : memref<1x128xi32, #tpu.memory_space<vmem>> -> memref<128xi32, #tpu.memory_space<vmem>>
        %dma_start3A_597 = arith.constant 0 : i32
        %dma_start3A_598 = arith.constant 0 : i32
        %dma_start3A_599 = tpu.memref_slice %arg3[%dma_start3A_597, %dma_start3A_598] : memref<1000000x64xf32, #tpu.memory_space<hbm>> -> memref<1000000x64xf32, #tpu.memory_space<hbm>>
        tpu.enqueue_indirect_dma source(%dma_start3A_599 : memref<1000000x64xf32, #tpu.memory_space<hbm>>) target(%dma_start3A_589 : memref<128x64xf32, #tpu.memory_space<vmem>>) offsets(%dma_start3A_596 : memref<128xi32, #tpu.memory_space<vmem>>) semaphore(%arg8 : memref<!tpu.dma_semaphore, #tpu.memory_space<semaphore_mem>>)
      } else {
      }
      %mul3A_381 = arith.constant 2 : i32
      %mul3A_382 = arith.muli %mul3A_381, %scan3A_247 : i32
      %add3A_383 = arith.constant 1 : i32
      %add3A_384 = arith.addi %mul3A_382, %add3A_383 : i32
      %dma_wait3A_385 = arith.constant 1 : i32
      %dma_wait3A_386 = arith.constant 0 : i32
      %dma_wait3A_387 = arith.constant 0 : i32
      %dma_wait3A_388 = arith.constant 0 : i32
      %dma_wait3A_389 = arith.constant 0 : i32
      %dma_wait3A_390 = tpu.memref_slice %arg6[%dma_wait3A_385, %dma_wait3A_387, %dma_wait3A_388, %dma_wait3A_389] : memref<2x4x128x64xf32, #tpu.memory_space<vmem>> -> memref<1x4x128x64xf32, #tpu.memory_space<vmem>>
      %dma_wait3A_391 = tpu.memref_squeeze %dma_wait3A_390 : memref<1x4x128x64xf32, #tpu.memory_space<vmem>> -> memref<4x128x64xf32, #tpu.memory_space<vmem>>
      %dma_wait3A_392 = arith.constant 0 : i32
      %dma_wait3A_393 = arith.constant 0 : i32
      %dma_wait3A_394 = tpu.memref_slice %dma_wait3A_391[%dma_wait3A_386, %dma_wait3A_392, %dma_wait3A_393] : memref<4x128x64xf32, #tpu.memory_space<vmem>> -> memref<1x128x64xf32, #tpu.memory_space<vmem>>
      %dma_wait3A_395 = tpu.memref_squeeze %dma_wait3A_394 : memref<1x128x64xf32, #tpu.memory_space<vmem>> -> memref<128x64xf32, #tpu.memory_space<vmem>>
      %dma_wait3A_396 = arith.constant 0 : i32
      %dma_wait3A_397 = arith.constant 0 : i32
      %dma_wait3A_398 = tpu.memref_slice %arg3[%dma_wait3A_396, %dma_wait3A_397] : memref<1000000x64xf32, #tpu.memory_space<hbm>> -> memref<128x64xf32, #tpu.memory_space<hbm>>
      %dma_wait3A_399 = arith.constant 0 : i32
      %dma_wait3A_400 = arith.constant 0 : i32
      %dma_wait3A_401 = arith.constant 0 : i32
      %dma_wait3A_402 = tpu.memref_slice %arg6[%dma_wait3A_385, %dma_wait3A_399, %dma_wait3A_400, %dma_wait3A_401] : memref<2x4x128x64xf32, #tpu.memory_space<vmem>> -> memref<1x4x128x64xf32, #tpu.memory_space<vmem>>
      %dma_wait3A_403 = tpu.memref_squeeze %dma_wait3A_402 : memref<1x4x128x64xf32, #tpu.memory_space<vmem>> -> memref<4x128x64xf32, #tpu.memory_space<vmem>>
      %dma_wait3A_404 = arith.constant 0 : i32
      %dma_wait3A_405 = arith.constant 0 : i32
      %dma_wait3A_406 = tpu.memref_slice %dma_wait3A_403[%dma_wait3A_386, %dma_wait3A_404, %dma_wait3A_405] : memref<4x128x64xf32, #tpu.memory_space<vmem>> -> memref<1x128x64xf32, #tpu.memory_space<vmem>>
      %dma_wait3A_407 = tpu.memref_squeeze %dma_wait3A_406 : memref<1x128x64xf32, #tpu.memory_space<vmem>> -> memref<128x64xf32, #tpu.memory_space<vmem>>
      %dma_wait3A_408 = arith.constant 0 : i32
      %dma_wait3A_409 = arith.constant 0 : i32
      %dma_wait3A_410 = tpu.memref_slice %arg3[%dma_wait3A_408, %dma_wait3A_409] : memref<1000000x64xf32, #tpu.memory_space<hbm>> -> memref<128x64xf32, #tpu.memory_space<hbm>>
      tpu.wait_dma2 semaphore(%arg9 : memref<!tpu.dma_semaphore, #tpu.memory_space<semaphore_mem>>) src(%dma_wait3A_410 : memref<128x64xf32, #tpu.memory_space<hbm>>) dst(%dma_wait3A_407 : memref<128x64xf32, #tpu.memory_space<vmem>>)
      %dma_wait3A_411 = arith.constant 1 : i32
      %dma_wait3A_412 = arith.constant 1 : i32
      %dma_wait3A_413 = arith.constant 0 : i32
      %dma_wait3A_414 = arith.constant 0 : i32
      %dma_wait3A_415 = arith.constant 0 : i32
      %dma_wait3A_416 = tpu.memref_slice %arg6[%dma_wait3A_411, %dma_wait3A_413, %dma_wait3A_414, %dma_wait3A_415] : memref<2x4x128x64xf32, #tpu.memory_space<vmem>> -> memref<1x4x128x64xf32, #tpu.memory_space<vmem>>
      %dma_wait3A_417 = tpu.memref_squeeze %dma_wait3A_416 : memref<1x4x128x64xf32, #tpu.memory_space<vmem>> -> memref<4x128x64xf32, #tpu.memory_space<vmem>>
      %dma_wait3A_418 = arith.constant 0 : i32
      %dma_wait3A_419 = arith.constant 0 : i32
      %dma_wait3A_420 = tpu.memref_slice %dma_wait3A_417[%dma_wait3A_412, %dma_wait3A_418, %dma_wait3A_419] : memref<4x128x64xf32, #tpu.memory_space<vmem>> -> memref<1x128x64xf32, #tpu.memory_space<vmem>>
      %dma_wait3A_421 = tpu.memref_squeeze %dma_wait3A_420 : memref<1x128x64xf32, #tpu.memory_space<vmem>> -> memref<128x64xf32, #tpu.memory_space<vmem>>
      %dma_wait3A_422 = arith.constant 0 : i32
      %dma_wait3A_423 = arith.constant 0 : i32
      %dma_wait3A_424 = tpu.memref_slice %arg3[%dma_wait3A_422, %dma_wait3A_423] : memref<1000000x64xf32, #tpu.memory_space<hbm>> -> memref<128x64xf32, #tpu.memory_space<hbm>>
      %dma_wait3A_425 = arith.constant 0 : i32
      %dma_wait3A_426 = arith.constant 0 : i32
      %dma_wait3A_427 = arith.constant 0 : i32
      %dma_wait3A_428 = tpu.memref_slice %arg6[%dma_wait3A_411, %dma_wait3A_425, %dma_wait3A_426, %dma_wait3A_427] : memref<2x4x128x64xf32, #tpu.memory_space<vmem>> -> memref<1x4x128x64xf32, #tpu.memory_space<vmem>>
      %dma_wait3A_429 = tpu.memref_squeeze %dma_wait3A_428 : memref<1x4x128x64xf32, #tpu.memory_space<vmem>> -> memref<4x128x64xf32, #tpu.memory_space<vmem>>
      %dma_wait3A_430 = arith.constant 0 : i32
      %dma_wait3A_431 = arith.constant 0 : i32
      %dma_wait3A_432 = tpu.memref_slice %dma_wait3A_429[%dma_wait3A_412, %dma_wait3A_430, %dma_wait3A_431] : memref<4x128x64xf32, #tpu.memory_space<vmem>> -> memref<1x128x64xf32, #tpu.memory_space<vmem>>
      %dma_wait3A_433 = tpu.memref_squeeze %dma_wait3A_432 : memref<1x128x64xf32, #tpu.memory_space<vmem>> -> memref<128x64xf32, #tpu.memory_space<vmem>>
      %dma_wait3A_434 = arith.constant 0 : i32
      %dma_wait3A_435 = arith.constant 0 : i32
      %dma_wait3A_436 = tpu.memref_slice %arg3[%dma_wait3A_434, %dma_wait3A_435] : memref<1000000x64xf32, #tpu.memory_space<hbm>> -> memref<128x64xf32, #tpu.memory_space<hbm>>
      tpu.wait_dma2 semaphore(%arg9 : memref<!tpu.dma_semaphore, #tpu.memory_space<semaphore_mem>>) src(%dma_wait3A_436 : memref<128x64xf32, #tpu.memory_space<hbm>>) dst(%dma_wait3A_433 : memref<128x64xf32, #tpu.memory_space<vmem>>)
      %dma_wait3A_437 = arith.constant 1 : i32
      %dma_wait3A_438 = arith.constant 2 : i32
      %dma_wait3A_439 = arith.constant 0 : i32
      %dma_wait3A_440 = arith.constant 0 : i32
      %dma_wait3A_441 = arith.constant 0 : i32
      %dma_wait3A_442 = tpu.memref_slice %arg6[%dma_wait3A_437, %dma_wait3A_439, %dma_wait3A_440, %dma_wait3A_441] : memref<2x4x128x64xf32, #tpu.memory_space<vmem>> -> memref<1x4x128x64xf32, #tpu.memory_space<vmem>>
      %dma_wait3A_443 = tpu.memref_squeeze %dma_wait3A_442 : memref<1x4x128x64xf32, #tpu.memory_space<vmem>> -> memref<4x128x64xf32, #tpu.memory_space<vmem>>
      %dma_wait3A_444 = arith.constant 0 : i32
      %dma_wait3A_445 = arith.constant 0 : i32
      %dma_wait3A_446 = tpu.memref_slice %dma_wait3A_443[%dma_wait3A_438, %dma_wait3A_444, %dma_wait3A_445] : memref<4x128x64xf32, #tpu.memory_space<vmem>> -> memref<1x128x64xf32, #tpu.memory_space<vmem>>
      %dma_wait3A_447 = tpu.memref_squeeze %dma_wait3A_446 : memref<1x128x64xf32, #tpu.memory_space<vmem>> -> memref<128x64xf32, #tpu.memory_space<vmem>>
      %dma_wait3A_448 = arith.constant 0 : i32
      %dma_wait3A_449 = arith.constant 0 : i32
      %dma_wait3A_450 = tpu.memref_slice %arg3[%dma_wait3A_448, %dma_wait3A_449] : memref<1000000x64xf32, #tpu.memory_space<hbm>> -> memref<128x64xf32, #tpu.memory_space<hbm>>
      %dma_wait3A_451 = arith.constant 0 : i32
      %dma_wait3A_452 = arith.constant 0 : i32
      %dma_wait3A_453 = arith.constant 0 : i32
      %dma_wait3A_454 = tpu.memref_slice %arg6[%dma_wait3A_437, %dma_wait3A_451, %dma_wait3A_452, %dma_wait3A_453] : memref<2x4x128x64xf32, #tpu.memory_space<vmem>> -> memref<1x4x128x64xf32, #tpu.memory_space<vmem>>
      %dma_wait3A_455 = tpu.memref_squeeze %dma_wait3A_454 : memref<1x4x128x64xf32, #tpu.memory_space<vmem>> -> memref<4x128x64xf32, #tpu.memory_space<vmem>>
      %dma_wait3A_456 = arith.constant 0 : i32
      %dma_wait3A_457 = arith.constant 0 : i32
      %dma_wait3A_458 = tpu.memref_slice %dma_wait3A_455[%dma_wait3A_438, %dma_wait3A_456, %dma_wait3A_457] : memref<4x128x64xf32, #tpu.memory_space<vmem>> -> memref<1x128x64xf32, #tpu.memory_space<vmem>>
      %dma_wait3A_459 = tpu.memref_squeeze %dma_wait3A_458 : memref<1x128x64xf32, #tpu.memory_space<vmem>> -> memref<128x64xf32, #tpu.memory_space<vmem>>
      %dma_wait3A_460 = arith.constant 0 : i32
      %dma_wait3A_461 = arith.constant 0 : i32
      %dma_wait3A_462 = tpu.memref_slice %arg3[%dma_wait3A_460, %dma_wait3A_461] : memref<1000000x64xf32, #tpu.memory_space<hbm>> -> memref<128x64xf32, #tpu.memory_space<hbm>>
      tpu.wait_dma2 semaphore(%arg9 : memref<!tpu.dma_semaphore, #tpu.memory_space<semaphore_mem>>) src(%dma_wait3A_462 : memref<128x64xf32, #tpu.memory_space<hbm>>) dst(%dma_wait3A_459 : memref<128x64xf32, #tpu.memory_space<vmem>>)
      %dma_wait3A_463 = arith.constant 1 : i32
      %dma_wait3A_464 = arith.constant 3 : i32
      %dma_wait3A_465 = arith.constant 0 : i32
      %dma_wait3A_466 = arith.constant 0 : i32
      %dma_wait3A_467 = arith.constant 0 : i32
      %dma_wait3A_468 = tpu.memref_slice %arg6[%dma_wait3A_463, %dma_wait3A_465, %dma_wait3A_466, %dma_wait3A_467] : memref<2x4x128x64xf32, #tpu.memory_space<vmem>> -> memref<1x4x128x64xf32, #tpu.memory_space<vmem>>
      %dma_wait3A_469 = tpu.memref_squeeze %dma_wait3A_468 : memref<1x4x128x64xf32, #tpu.memory_space<vmem>> -> memref<4x128x64xf32, #tpu.memory_space<vmem>>
      %dma_wait3A_470 = arith.constant 0 : i32
      %dma_wait3A_471 = arith.constant 0 : i32
      %dma_wait3A_472 = tpu.memref_slice %dma_wait3A_469[%dma_wait3A_464, %dma_wait3A_470, %dma_wait3A_471] : memref<4x128x64xf32, #tpu.memory_space<vmem>> -> memref<1x128x64xf32, #tpu.memory_space<vmem>>
      %dma_wait3A_473 = tpu.memref_squeeze %dma_wait3A_472 : memref<1x128x64xf32, #tpu.memory_space<vmem>> -> memref<128x64xf32, #tpu.memory_space<vmem>>
      %dma_wait3A_474 = arith.constant 0 : i32
      %dma_wait3A_475 = arith.constant 0 : i32
      %dma_wait3A_476 = tpu.memref_slice %arg3[%dma_wait3A_474, %dma_wait3A_475] : memref<1000000x64xf32, #tpu.memory_space<hbm>> -> memref<128x64xf32, #tpu.memory_space<hbm>>
      %dma_wait3A_477 = arith.constant 0 : i32
      %dma_wait3A_478 = arith.constant 0 : i32
      %dma_wait3A_479 = arith.constant 0 : i32
      %dma_wait3A_480 = tpu.memref_slice %arg6[%dma_wait3A_463, %dma_wait3A_477, %dma_wait3A_478, %dma_wait3A_479] : memref<2x4x128x64xf32, #tpu.memory_space<vmem>> -> memref<1x4x128x64xf32, #tpu.memory_space<vmem>>
      %dma_wait3A_481 = tpu.memref_squeeze %dma_wait3A_480 : memref<1x4x128x64xf32, #tpu.memory_space<vmem>> -> memref<4x128x64xf32, #tpu.memory_space<vmem>>
      %dma_wait3A_482 = arith.constant 0 : i32
      %dma_wait3A_483 = arith.constant 0 : i32
      %dma_wait3A_484 = tpu.memref_slice %dma_wait3A_481[%dma_wait3A_464, %dma_wait3A_482, %dma_wait3A_483] : memref<4x128x64xf32, #tpu.memory_space<vmem>> -> memref<1x128x64xf32, #tpu.memory_space<vmem>>
      %dma_wait3A_485 = tpu.memref_squeeze %dma_wait3A_484 : memref<1x128x64xf32, #tpu.memory_space<vmem>> -> memref<128x64xf32, #tpu.memory_space<vmem>>
      %dma_wait3A_486 = arith.constant 0 : i32
      %dma_wait3A_487 = arith.constant 0 : i32
      %dma_wait3A_488 = tpu.memref_slice %arg3[%dma_wait3A_486, %dma_wait3A_487] : memref<1000000x64xf32, #tpu.memory_space<hbm>> -> memref<128x64xf32, #tpu.memory_space<hbm>>
      tpu.wait_dma2 semaphore(%arg9 : memref<!tpu.dma_semaphore, #tpu.memory_space<semaphore_mem>>) src(%dma_wait3A_488 : memref<128x64xf32, #tpu.memory_space<hbm>>) dst(%dma_wait3A_485 : memref<128x64xf32, #tpu.memory_space<vmem>>)
      %scan3A_489 = arith.constant 0 : i32
      %scan3A_490 = arith.constant 128 : i32
      %scan3A_491 = arith.addi %scan3A_489, %scan3A_490 : i32
      %scan3A_492 = arith.constant 1 : i32
      %scan3A_493:16 = scf.for %scan3A_502 = %scan3A_489 to %scan3A_491 step %scan3A_492 iter_args(%scan3A_503 = %scan3A_375#0, %scan3A_504 = %scan3A_375#1, %scan3A_505 = %scan3A_375#2, %scan3A_506 = %scan3A_375#3, %scan3A_507 = %scan3A_375#4, %scan3A_508 = %scan3A_375#5, %scan3A_509 = %scan3A_375#6, %scan3A_510 = %scan3A_375#7, %scan3A_511 = %scan3A_375#8, %scan3A_512 = %scan3A_375#9, %scan3A_513 = %scan3A_375#10, %scan3A_514 = %scan3A_375#11, %scan3A_515 = %scan3A_375#12, %scan3A_516 = %scan3A_375#13, %scan3A_517 = %scan3A_375#14, %scan3A_518 = %scan3A_375#15) -> (vector<16xf32>, vector<16xf32>, vector<16xf32>, vector<16xf32>, vector<16xf32>, vector<16xf32>, vector<16xf32>, vector<16xf32>, vector<16xf32>, vector<16xf32>, vector<16xf32>, vector<16xf32>, vector<16xf32>, vector<16xf32>, vector<16xf32>, vector<16xf32>)  : i32 {
        %get3A = arith.constant 1 : i32
        %get3A_519 = arith.constant 0 : i32
        %get3A_520 = arith.index_cast %get3A : i32 to index
        %get3A_521 = arith.index_cast %get3A_519 : i32 to index
        %get3A_522 = arith.index_cast %scan3A_502 : i32 to index
        %get3A_523 = arith.constant 0 : index
        %get3A_524 = tpu.vector_load %arg6[%get3A_520, %get3A_521, %get3A_522, %get3A_523] {strides = array<i32>} : memref<2x4x128x64xf32, #tpu.memory_space<vmem>>, vector<1x1x1x16xf32>,
        %get3A_525 = vector.shape_cast %get3A_524 : vector<1x1x1x16xf32> to vector<16xf32>
        %add3A_526 = arith.addf %scan3A_503, %get3A_525 : vector<16xf32>
        %get3A_527 = arith.constant 1 : i32
        %get3A_528 = arith.constant 0 : i32
        %get3A_529 = arith.index_cast %get3A_527 : i32 to index
        %get3A_530 = arith.index_cast %get3A_528 : i32 to index
        %get3A_531 = arith.index_cast %scan3A_502 : i32 to index
        %get3A_532 = arith.constant 16 : index
        %get3A_533 = tpu.vector_load %arg6[%get3A_529, %get3A_530, %get3A_531, %get3A_532] {strides = array<i32>} : memref<2x4x128x64xf32, #tpu.memory_space<vmem>>, vector<1x1x1x16xf32>,
        %get3A_534 = vector.shape_cast %get3A_533 : vector<1x1x1x16xf32> to vector<16xf32>
        %add3A_535 = arith.addf %scan3A_504, %get3A_534 : vector<16xf32>
        %get3A_536 = arith.constant 1 : i32
        %get3A_537 = arith.constant 0 : i32
        %get3A_538 = arith.index_cast %get3A_536 : i32 to index
        %get3A_539 = arith.index_cast %get3A_537 : i32 to index
        %get3A_540 = arith.index_cast %scan3A_502 : i32 to index
        %get3A_541 = arith.constant 32 : index
        %get3A_542 = tpu.vector_load %arg6[%get3A_538, %get3A_539, %get3A_540, %get3A_541] {strides = array<i32>} : memref<2x4x128x64xf32, #tpu.memory_space<vmem>>, vector<1x1x1x16xf32>,
        %get3A_543 = vector.shape_cast %get3A_542 : vector<1x1x1x16xf32> to vector<16xf32>
        %add3A_544 = arith.addf %scan3A_505, %get3A_543 : vector<16xf32>
        %get3A_545 = arith.constant 1 : i32
        %get3A_546 = arith.constant 0 : i32
        %get3A_547 = arith.index_cast %get3A_545 : i32 to index
        %get3A_548 = arith.index_cast %get3A_546 : i32 to index
        %get3A_549 = arith.index_cast %scan3A_502 : i32 to index
        %get3A_550 = arith.constant 48 : index
        %get3A_551 = tpu.vector_load %arg6[%get3A_547, %get3A_548, %get3A_549, %get3A_550] {strides = array<i32>} : memref<2x4x128x64xf32, #tpu.memory_space<vmem>>, vector<1x1x1x16xf32>,
        %get3A_552 = vector.shape_cast %get3A_551 : vector<1x1x1x16xf32> to vector<16xf32>
        %add3A_553 = arith.addf %scan3A_506, %get3A_552 : vector<16xf32>
        %get3A_554 = arith.constant 1 : i32
        %get3A_555 = arith.constant 1 : i32
        %get3A_556 = arith.index_cast %get3A_554 : i32 to index
        %get3A_557 = arith.index_cast %get3A_555 : i32 to index
        %get3A_558 = arith.index_cast %scan3A_502 : i32 to index
        %get3A_559 = arith.constant 0 : index
        %get3A_560 = tpu.vector_load %arg6[%get3A_556, %get3A_557, %get3A_558, %get3A_559] {strides = array<i32>} : memref<2x4x128x64xf32, #tpu.memory_space<vmem>>, vector<1x1x1x16xf32>,
        %get3A_561 = vector.shape_cast %get3A_560 : vector<1x1x1x16xf32> to vector<16xf32>
        %add3A_562 = arith.addf %scan3A_507, %get3A_561 : vector<16xf32>
        %get3A_563 = arith.constant 1 : i32
        %get3A_564 = arith.constant 1 : i32
        %get3A_565 = arith.index_cast %get3A_563 : i32 to index
        %get3A_566 = arith.index_cast %get3A_564 : i32 to index
        %get3A_567 = arith.index_cast %scan3A_502 : i32 to index
        %get3A_568 = arith.constant 16 : index
        %get3A_569 = tpu.vector_load %arg6[%get3A_565, %get3A_566, %get3A_567, %get3A_568] {strides = array<i32>} : memref<2x4x128x64xf32, #tpu.memory_space<vmem>>, vector<1x1x1x16xf32>,
        %get3A_570 = vector.shape_cast %get3A_569 : vector<1x1x1x16xf32> to vector<16xf32>
        %add3A_571 = arith.addf %scan3A_508, %get3A_570 : vector<16xf32>
        %get3A_572 = arith.constant 1 : i32
        %get3A_573 = arith.constant 1 : i32
        %get3A_574 = arith.index_cast %get3A_572 : i32 to index
        %get3A_575 = arith.index_cast %get3A_573 : i32 to index
        %get3A_576 = arith.index_cast %scan3A_502 : i32 to index
        %get3A_577 = arith.constant 32 : index
        %get3A_578 = tpu.vector_load %arg6[%get3A_574, %get3A_575, %get3A_576, %get3A_577] {strides = array<i32>} : memref<2x4x128x64xf32, #tpu.memory_space<vmem>>, vector<1x1x1x16xf32>,
        %get3A_579 = vector.shape_cast %get3A_578 : vector<1x1x1x16xf32> to vector<16xf32>
        %add3A_580 = arith.addf %scan3A_509, %get3A_579 : vector<16xf32>
        %get3A_581 = arith.constant 1 : i32
        %get3A_582 = arith.constant 1 : i32
        %get3A_583 = arith.index_cast %get3A_581 : i32 to index
        %get3A_584 = arith.index_cast %get3A_582 : i32 to index
        %get3A_585 = arith.index_cast %scan3A_502 : i32 to index
        %get3A_586 = arith.constant 48 : index
        %get3A_587 = tpu.vector_load %arg6[%get3A_583, %get3A_584, %get3A_585, %get3A_586] {strides = array<i32>} : memref<2x4x128x64xf32, #tpu.memory_space<vmem>>, vector<1x1x1x16xf32>,
        %get3A_588 = vector.shape_cast %get3A_587 : vector<1x1x1x16xf32> to vector<16xf32>
        %add3A_589 = arith.addf %scan3A_510, %get3A_588 : vector<16xf32>
        %get3A_590 = arith.constant 1 : i32
        %get3A_591 = arith.constant 2 : i32
        %get3A_592 = arith.index_cast %get3A_590 : i32 to index
        %get3A_593 = arith.index_cast %get3A_591 : i32 to index
        %get3A_594 = arith.index_cast %scan3A_502 : i32 to index
        %get3A_595 = arith.constant 0 : index
        %get3A_596 = tpu.vector_load %arg6[%get3A_592, %get3A_593, %get3A_594, %get3A_595] {strides = array<i32>} : memref<2x4x128x64xf32, #tpu.memory_space<vmem>>, vector<1x1x1x16xf32>,
        %get3A_597 = vector.shape_cast %get3A_596 : vector<1x1x1x16xf32> to vector<16xf32>
        %add3A_598 = arith.addf %scan3A_511, %get3A_597 : vector<16xf32>
        %get3A_599 = arith.constant 1 : i32
        %get3A_600 = arith.constant 2 : i32
        %get3A_601 = arith.index_cast %get3A_599 : i32 to index
        %get3A_602 = arith.index_cast %get3A_600 : i32 to index
        %get3A_603 = arith.index_cast %scan3A_502 : i32 to index
        %get3A_604 = arith.constant 16 : index
        %get3A_605 = tpu.vector_load %arg6[%get3A_601, %get3A_602, %get3A_603, %get3A_604] {strides = array<i32>} : memref<2x4x128x64xf32, #tpu.memory_space<vmem>>, vector<1x1x1x16xf32>,
        %get3A_606 = vector.shape_cast %get3A_605 : vector<1x1x1x16xf32> to vector<16xf32>
        %add3A_607 = arith.addf %scan3A_512, %get3A_606 : vector<16xf32>
        %get3A_608 = arith.constant 1 : i32
        %get3A_609 = arith.constant 2 : i32
        %get3A_610 = arith.index_cast %get3A_608 : i32 to index
        %get3A_611 = arith.index_cast %get3A_609 : i32 to index
        %get3A_612 = arith.index_cast %scan3A_502 : i32 to index
        %get3A_613 = arith.constant 32 : index
        %get3A_614 = tpu.vector_load %arg6[%get3A_610, %get3A_611, %get3A_612, %get3A_613] {strides = array<i32>} : memref<2x4x128x64xf32, #tpu.memory_space<vmem>>, vector<1x1x1x16xf32>,
        %get3A_615 = vector.shape_cast %get3A_614 : vector<1x1x1x16xf32> to vector<16xf32>
        %add3A_616 = arith.addf %scan3A_513, %get3A_615 : vector<16xf32>
        %get3A_617 = arith.constant 1 : i32
        %get3A_618 = arith.constant 2 : i32
        %get3A_619 = arith.index_cast %get3A_617 : i32 to index
        %get3A_620 = arith.index_cast %get3A_618 : i32 to index
        %get3A_621 = arith.index_cast %scan3A_502 : i32 to index
        %get3A_622 = arith.constant 48 : index
        %get3A_623 = tpu.vector_load %arg6[%get3A_619, %get3A_620, %get3A_621, %get3A_622] {strides = array<i32>} : memref<2x4x128x64xf32, #tpu.memory_space<vmem>>, vector<1x1x1x16xf32>,
        %get3A_624 = vector.shape_cast %get3A_623 : vector<1x1x1x16xf32> to vector<16xf32>
        %add3A_625 = arith.addf %scan3A_514, %get3A_624 : vector<16xf32>
        %get3A_626 = arith.constant 1 : i32
        %get3A_627 = arith.constant 3 : i32
        %get3A_628 = arith.index_cast %get3A_626 : i32 to index
        %get3A_629 = arith.index_cast %get3A_627 : i32 to index
        %get3A_630 = arith.index_cast %scan3A_502 : i32 to index
        %get3A_631 = arith.constant 0 : index
        %get3A_632 = tpu.vector_load %arg6[%get3A_628, %get3A_629, %get3A_630, %get3A_631] {strides = array<i32>} : memref<2x4x128x64xf32, #tpu.memory_space<vmem>>, vector<1x1x1x16xf32>,
        %get3A_633 = vector.shape_cast %get3A_632 : vector<1x1x1x16xf32> to vector<16xf32>
        %add3A_634 = arith.addf %scan3A_515, %get3A_633 : vector<16xf32>
        %get3A_635 = arith.constant 1 : i32
        %get3A_636 = arith.constant 3 : i32
        %get3A_637 = arith.index_cast %get3A_635 : i32 to index
        %get3A_638 = arith.index_cast %get3A_636 : i32 to index
        %get3A_639 = arith.index_cast %scan3A_502 : i32 to index
        %get3A_640 = arith.constant 16 : index
        %get3A_641 = tpu.vector_load %arg6[%get3A_637, %get3A_638, %get3A_639, %get3A_640] {strides = array<i32>} : memref<2x4x128x64xf32, #tpu.memory_space<vmem>>, vector<1x1x1x16xf32>,
        %get3A_642 = vector.shape_cast %get3A_641 : vector<1x1x1x16xf32> to vector<16xf32>
        %add3A_643 = arith.addf %scan3A_516, %get3A_642 : vector<16xf32>
        %get3A_644 = arith.constant 1 : i32
        %get3A_645 = arith.constant 3 : i32
        %get3A_646 = arith.index_cast %get3A_644 : i32 to index
        %get3A_647 = arith.index_cast %get3A_645 : i32 to index
        %get3A_648 = arith.index_cast %scan3A_502 : i32 to index
        %get3A_649 = arith.constant 32 : index
        %get3A_650 = tpu.vector_load %arg6[%get3A_646, %get3A_647, %get3A_648, %get3A_649] {strides = array<i32>} : memref<2x4x128x64xf32, #tpu.memory_space<vmem>>, vector<1x1x1x16xf32>,
        %get3A_651 = vector.shape_cast %get3A_650 : vector<1x1x1x16xf32> to vector<16xf32>
        %add3A_652 = arith.addf %scan3A_517, %get3A_651 : vector<16xf32>
        %get3A_653 = arith.constant 1 : i32
        %get3A_654 = arith.constant 3 : i32
        %get3A_655 = arith.index_cast %get3A_653 : i32 to index
        %get3A_656 = arith.index_cast %get3A_654 : i32 to index
        %get3A_657 = arith.index_cast %scan3A_502 : i32 to index
        %get3A_658 = arith.constant 48 : index
        %get3A_659 = tpu.vector_load %arg6[%get3A_655, %get3A_656, %get3A_657, %get3A_658] {strides = array<i32>} : memref<2x4x128x64xf32, #tpu.memory_space<vmem>>, vector<1x1x1x16xf32>,
        %get3A_660 = vector.shape_cast %get3A_659 : vector<1x1x1x16xf32> to vector<16xf32>
        %add3A_661 = arith.addf %scan3A_518, %get3A_660 : vector<16xf32>
        scf.yield %add3A_526, %add3A_535, %add3A_544, %add3A_553, %add3A_562, %add3A_571, %add3A_580, %add3A_589, %add3A_598, %add3A_607, %add3A_616, %add3A_625, %add3A_634, %add3A_643, %add3A_652, %add3A_661 : vector<16xf32>, vector<16xf32>, vector<16xf32>, vector<16xf32>, vector<16xf32>, vector<16xf32>, vector<16xf32>, vector<16xf32>, vector<16xf32>, vector<16xf32>, vector<16xf32>, vector<16xf32>, vector<16xf32>, vector<16xf32>, vector<16xf32>, vector<16xf32>
      }
      %scan3A_494 = arith.constant 128 : i32
      %add3A_495 = arith.constant 2 : i32
      %add3A_496 = arith.addi %add3A_384, %add3A_495 : i32
      %lt3A_497 = arith.constant 50 : i32
      %lt3A_498 = arith.cmpi slt, %add3A_496, %lt3A_497 : i32
      %convert_element_type3A_499 = arith.extui %lt3A_498 : i1 to i32
      %cond3A_500 = arith.constant 0 : i32
      %cond3A_501 = arith.cmpi ne, %convert_element_type3A_499, %cond3A_500 : i32
      scf.if %cond3A_501 {
        %add3A_502 = arith.constant 2 : i32
        %add3A_503 = arith.addi %add3A_384, %add3A_502 : i32
        %mul3A_504 = arith.constant 4 : i32
        %mul3A_505 = arith.muli %add3A_503, %mul3A_504 : i32
        %add3A_506 = arith.addi %mul3A_2, %mul3A_505 : i32
        %run_scoped3A_507 = arith.constant 1 : i32
        "tpu.region"() ({
          %run_scoped3A_600 = tpu.sem_alloc : memref<!tpu.dma_semaphore, #tpu.memory_space<semaphore_mem>>
          %dma_start3A_601 = arith.constant 0 : i32
          %dma_start3A_602 = arith.constant 0 : i32
          %dma_start3A_603 = tpu.memref_slice %arg5[%run_scoped3A_507, %dma_start3A_601, %dma_start3A_602] : memref<2x4x128xi32, #tpu.memory_space<vmem>> -> memref<1x4x128xi32, #tpu.memory_space<vmem>>
          %dma_start3A_604 = tpu.memref_squeeze %dma_start3A_603 : memref<1x4x128xi32, #tpu.memory_space<vmem>> -> memref<4x128xi32, #tpu.memory_space<vmem>>
          %dma_start3A_605 = arith.constant 0 : i32
          %dma_start3A_606 = tpu.memref_slice %arg2[%add3A_506, %dma_start3A_605] : memref<6400x128xi32, #tpu.memory_space<hbm>> -> memref<4x128xi32, #tpu.memory_space<hbm>>
          %dma_start3A_607 = arith.constant 0 : i32
          %dma_start3A_608 = arith.constant 0 : i32
          %dma_start3A_609 = tpu.memref_slice %arg5[%run_scoped3A_507, %dma_start3A_607, %dma_start3A_608] : memref<2x4x128xi32, #tpu.memory_space<vmem>> -> memref<1x4x128xi32, #tpu.memory_space<vmem>>
          %dma_start3A_610 = tpu.memref_squeeze %dma_start3A_609 : memref<1x4x128xi32, #tpu.memory_space<vmem>> -> memref<4x128xi32, #tpu.memory_space<vmem>>
          %dma_start3A_611 = arith.constant 0 : i32
          %dma_start3A_612 = tpu.memref_slice %arg2[%add3A_506, %dma_start3A_611] : memref<6400x128xi32, #tpu.memory_space<hbm>> -> memref<4x128xi32, #tpu.memory_space<hbm>>
          tpu.enqueue_dma source(%dma_start3A_612 : memref<4x128xi32, #tpu.memory_space<hbm>>) target(%dma_start3A_610 : memref<4x128xi32, #tpu.memory_space<vmem>>) target_semaphore(%run_scoped3A_600 : memref<!tpu.dma_semaphore, #tpu.memory_space<semaphore_mem>>)
          %dma_wait3A_613 = arith.constant 0 : i32
          %dma_wait3A_614 = arith.constant 0 : i32
          %dma_wait3A_615 = tpu.memref_slice %arg5[%run_scoped3A_507, %dma_wait3A_613, %dma_wait3A_614] : memref<2x4x128xi32, #tpu.memory_space<vmem>> -> memref<1x4x128xi32, #tpu.memory_space<vmem>>
          %dma_wait3A_616 = tpu.memref_squeeze %dma_wait3A_615 : memref<1x4x128xi32, #tpu.memory_space<vmem>> -> memref<4x128xi32, #tpu.memory_space<vmem>>
          %dma_wait3A_617 = arith.constant 0 : i32
          %dma_wait3A_618 = tpu.memref_slice %arg2[%add3A_506, %dma_wait3A_617] : memref<6400x128xi32, #tpu.memory_space<hbm>> -> memref<4x128xi32, #tpu.memory_space<hbm>>
          %dma_wait3A_619 = arith.constant 0 : i32
          %dma_wait3A_620 = arith.constant 0 : i32
          %dma_wait3A_621 = tpu.memref_slice %arg5[%run_scoped3A_507, %dma_wait3A_619, %dma_wait3A_620] : memref<2x4x128xi32, #tpu.memory_space<vmem>> -> memref<1x4x128xi32, #tpu.memory_space<vmem>>
          %dma_wait3A_622 = tpu.memref_squeeze %dma_wait3A_621 : memref<1x4x128xi32, #tpu.memory_space<vmem>> -> memref<4x128xi32, #tpu.memory_space<vmem>>
          %dma_wait3A_623 = arith.constant 0 : i32
          %dma_wait3A_624 = tpu.memref_slice %arg2[%add3A_506, %dma_wait3A_623] : memref<6400x128xi32, #tpu.memory_space<hbm>> -> memref<4x128xi32, #tpu.memory_space<hbm>>
          tpu.wait_dma2 semaphore(%run_scoped3A_600 : memref<!tpu.dma_semaphore, #tpu.memory_space<semaphore_mem>>) src(%dma_wait3A_624 : memref<4x128xi32, #tpu.memory_space<hbm>>) dst(%dma_wait3A_622 : memref<4x128xi32, #tpu.memory_space<vmem>>)
          tpu.yield
        }) : () -> ()
        %dma_start3A_508 = arith.constant 1 : i32
        %dma_start3A_509 = arith.constant 0 : i32
        %dma_start3A_510 = arith.constant 1 : i32
        %dma_start3A_511 = arith.constant 0 : i32
        %dma_start3A_512 = arith.constant 0 : i32
        %dma_start3A_513 = arith.constant 0 : i32
        %dma_start3A_514 = arith.constant 0 : i32
        %dma_start3A_515 = tpu.memref_slice %arg6[%dma_start3A_510, %dma_start3A_512, %dma_start3A_513, %dma_start3A_514] : memref<2x4x128x64xf32, #tpu.memory_space<vmem>> -> memref<1x4x128x64xf32, #tpu.memory_space<vmem>>
        %dma_start3A_516 = tpu.memref_squeeze %dma_start3A_515 : memref<1x4x128x64xf32, #tpu.memory_space<vmem>> -> memref<4x128x64xf32, #tpu.memory_space<vmem>>
        %dma_start3A_517 = arith.constant 0 : i32
        %dma_start3A_518 = arith.constant 0 : i32
        %dma_start3A_519 = tpu.memref_slice %dma_start3A_516[%dma_start3A_511, %dma_start3A_517, %dma_start3A_518] : memref<4x128x64xf32, #tpu.memory_space<vmem>> -> memref<1x128x64xf32, #tpu.memory_space<vmem>>
        %dma_start3A_520 = tpu.memref_squeeze %dma_start3A_519 : memref<1x128x64xf32, #tpu.memory_space<vmem>> -> memref<128x64xf32, #tpu.memory_space<vmem>>
        %dma_start3A_521 = arith.constant 0 : i32
        %dma_start3A_522 = arith.constant 0 : i32
        %dma_start3A_523 = tpu.memref_slice %arg5[%dma_start3A_508, %dma_start3A_521, %dma_start3A_522] : memref<2x4x128xi32, #tpu.memory_space<vmem>> -> memref<1x4x128xi32, #tpu.memory_space<vmem>>
        %dma_start3A_524 = tpu.memref_squeeze %dma_start3A_523 : memref<1x4x128xi32, #tpu.memory_space<vmem>> -> memref<4x128xi32, #tpu.memory_space<vmem>>
        %dma_start3A_525 = arith.constant 0 : i32
        %dma_start3A_526 = tpu.memref_slice %dma_start3A_524[%dma_start3A_509, %dma_start3A_525] : memref<4x128xi32, #tpu.memory_space<vmem>> -> memref<1x128xi32, #tpu.memory_space<vmem>>
        %dma_start3A_527 = tpu.memref_squeeze %dma_start3A_526 : memref<1x128xi32, #tpu.memory_space<vmem>> -> memref<128xi32, #tpu.memory_space<vmem>>
        %dma_start3A_528 = arith.constant 0 : i32
        %dma_start3A_529 = arith.constant 0 : i32
        %dma_start3A_530 = tpu.memref_slice %arg3[%dma_start3A_528, %dma_start3A_529] : memref<1000000x64xf32, #tpu.memory_space<hbm>> -> memref<1000000x64xf32, #tpu.memory_space<hbm>>
        tpu.enqueue_indirect_dma source(%dma_start3A_530 : memref<1000000x64xf32, #tpu.memory_space<hbm>>) target(%dma_start3A_520 : memref<128x64xf32, #tpu.memory_space<vmem>>) offsets(%dma_start3A_527 : memref<128xi32, #tpu.memory_space<vmem>>) semaphore(%arg9 : memref<!tpu.dma_semaphore, #tpu.memory_space<semaphore_mem>>)
        %dma_start3A_531 = arith.constant 1 : i32
        %dma_start3A_532 = arith.constant 1 : i32
        %dma_start3A_533 = arith.constant 1 : i32
        %dma_start3A_534 = arith.constant 1 : i32
        %dma_start3A_535 = arith.constant 0 : i32
        %dma_start3A_536 = arith.constant 0 : i32
        %dma_start3A_537 = arith.constant 0 : i32
        %dma_start3A_538 = tpu.memref_slice %arg6[%dma_start3A_533, %dma_start3A_535, %dma_start3A_536, %dma_start3A_537] : memref<2x4x128x64xf32, #tpu.memory_space<vmem>> -> memref<1x4x128x64xf32, #tpu.memory_space<vmem>>
        %dma_start3A_539 = tpu.memref_squeeze %dma_start3A_538 : memref<1x4x128x64xf32, #tpu.memory_space<vmem>> -> memref<4x128x64xf32, #tpu.memory_space<vmem>>
        %dma_start3A_540 = arith.constant 0 : i32
        %dma_start3A_541 = arith.constant 0 : i32
        %dma_start3A_542 = tpu.memref_slice %dma_start3A_539[%dma_start3A_534, %dma_start3A_540, %dma_start3A_541] : memref<4x128x64xf32, #tpu.memory_space<vmem>> -> memref<1x128x64xf32, #tpu.memory_space<vmem>>
        %dma_start3A_543 = tpu.memref_squeeze %dma_start3A_542 : memref<1x128x64xf32, #tpu.memory_space<vmem>> -> memref<128x64xf32, #tpu.memory_space<vmem>>
        %dma_start3A_544 = arith.constant 0 : i32
        %dma_start3A_545 = arith.constant 0 : i32
        %dma_start3A_546 = tpu.memref_slice %arg5[%dma_start3A_531, %dma_start3A_544, %dma_start3A_545] : memref<2x4x128xi32, #tpu.memory_space<vmem>> -> memref<1x4x128xi32, #tpu.memory_space<vmem>>
        %dma_start3A_547 = tpu.memref_squeeze %dma_start3A_546 : memref<1x4x128xi32, #tpu.memory_space<vmem>> -> memref<4x128xi32, #tpu.memory_space<vmem>>
        %dma_start3A_548 = arith.constant 0 : i32
        %dma_start3A_549 = tpu.memref_slice %dma_start3A_547[%dma_start3A_532, %dma_start3A_548] : memref<4x128xi32, #tpu.memory_space<vmem>> -> memref<1x128xi32, #tpu.memory_space<vmem>>
        %dma_start3A_550 = tpu.memref_squeeze %dma_start3A_549 : memref<1x128xi32, #tpu.memory_space<vmem>> -> memref<128xi32, #tpu.memory_space<vmem>>
        %dma_start3A_551 = arith.constant 0 : i32
        %dma_start3A_552 = arith.constant 0 : i32
        %dma_start3A_553 = tpu.memref_slice %arg3[%dma_start3A_551, %dma_start3A_552] : memref<1000000x64xf32, #tpu.memory_space<hbm>> -> memref<1000000x64xf32, #tpu.memory_space<hbm>>
        tpu.enqueue_indirect_dma source(%dma_start3A_553 : memref<1000000x64xf32, #tpu.memory_space<hbm>>) target(%dma_start3A_543 : memref<128x64xf32, #tpu.memory_space<vmem>>) offsets(%dma_start3A_550 : memref<128xi32, #tpu.memory_space<vmem>>) semaphore(%arg9 : memref<!tpu.dma_semaphore, #tpu.memory_space<semaphore_mem>>)
        %dma_start3A_554 = arith.constant 1 : i32
        %dma_start3A_555 = arith.constant 2 : i32
        %dma_start3A_556 = arith.constant 1 : i32
        %dma_start3A_557 = arith.constant 2 : i32
        %dma_start3A_558 = arith.constant 0 : i32
        %dma_start3A_559 = arith.constant 0 : i32
        %dma_start3A_560 = arith.constant 0 : i32
        %dma_start3A_561 = tpu.memref_slice %arg6[%dma_start3A_556, %dma_start3A_558, %dma_start3A_559, %dma_start3A_560] : memref<2x4x128x64xf32, #tpu.memory_space<vmem>> -> memref<1x4x128x64xf32, #tpu.memory_space<vmem>>
        %dma_start3A_562 = tpu.memref_squeeze %dma_start3A_561 : memref<1x4x128x64xf32, #tpu.memory_space<vmem>> -> memref<4x128x64xf32, #tpu.memory_space<vmem>>
        %dma_start3A_563 = arith.constant 0 : i32
        %dma_start3A_564 = arith.constant 0 : i32
        %dma_start3A_565 = tpu.memref_slice %dma_start3A_562[%dma_start3A_557, %dma_start3A_563, %dma_start3A_564] : memref<4x128x64xf32, #tpu.memory_space<vmem>> -> memref<1x128x64xf32, #tpu.memory_space<vmem>>
        %dma_start3A_566 = tpu.memref_squeeze %dma_start3A_565 : memref<1x128x64xf32, #tpu.memory_space<vmem>> -> memref<128x64xf32, #tpu.memory_space<vmem>>
        %dma_start3A_567 = arith.constant 0 : i32
        %dma_start3A_568 = arith.constant 0 : i32
        %dma_start3A_569 = tpu.memref_slice %arg5[%dma_start3A_554, %dma_start3A_567, %dma_start3A_568] : memref<2x4x128xi32, #tpu.memory_space<vmem>> -> memref<1x4x128xi32, #tpu.memory_space<vmem>>
        %dma_start3A_570 = tpu.memref_squeeze %dma_start3A_569 : memref<1x4x128xi32, #tpu.memory_space<vmem>> -> memref<4x128xi32, #tpu.memory_space<vmem>>
        %dma_start3A_571 = arith.constant 0 : i32
        %dma_start3A_572 = tpu.memref_slice %dma_start3A_570[%dma_start3A_555, %dma_start3A_571] : memref<4x128xi32, #tpu.memory_space<vmem>> -> memref<1x128xi32, #tpu.memory_space<vmem>>
        %dma_start3A_573 = tpu.memref_squeeze %dma_start3A_572 : memref<1x128xi32, #tpu.memory_space<vmem>> -> memref<128xi32, #tpu.memory_space<vmem>>
        %dma_start3A_574 = arith.constant 0 : i32
        %dma_start3A_575 = arith.constant 0 : i32
        %dma_start3A_576 = tpu.memref_slice %arg3[%dma_start3A_574, %dma_start3A_575] : memref<1000000x64xf32, #tpu.memory_space<hbm>> -> memref<1000000x64xf32, #tpu.memory_space<hbm>>
        tpu.enqueue_indirect_dma source(%dma_start3A_576 : memref<1000000x64xf32, #tpu.memory_space<hbm>>) target(%dma_start3A_566 : memref<128x64xf32, #tpu.memory_space<vmem>>) offsets(%dma_start3A_573 : memref<128xi32, #tpu.memory_space<vmem>>) semaphore(%arg9 : memref<!tpu.dma_semaphore, #tpu.memory_space<semaphore_mem>>)
        %dma_start3A_577 = arith.constant 1 : i32
        %dma_start3A_578 = arith.constant 3 : i32
        %dma_start3A_579 = arith.constant 1 : i32
        %dma_start3A_580 = arith.constant 3 : i32
        %dma_start3A_581 = arith.constant 0 : i32
        %dma_start3A_582 = arith.constant 0 : i32
        %dma_start3A_583 = arith.constant 0 : i32
        %dma_start3A_584 = tpu.memref_slice %arg6[%dma_start3A_579, %dma_start3A_581, %dma_start3A_582, %dma_start3A_583] : memref<2x4x128x64xf32, #tpu.memory_space<vmem>> -> memref<1x4x128x64xf32, #tpu.memory_space<vmem>>
        %dma_start3A_585 = tpu.memref_squeeze %dma_start3A_584 : memref<1x4x128x64xf32, #tpu.memory_space<vmem>> -> memref<4x128x64xf32, #tpu.memory_space<vmem>>
        %dma_start3A_586 = arith.constant 0 : i32
        %dma_start3A_587 = arith.constant 0 : i32
        %dma_start3A_588 = tpu.memref_slice %dma_start3A_585[%dma_start3A_580, %dma_start3A_586, %dma_start3A_587] : memref<4x128x64xf32, #tpu.memory_space<vmem>> -> memref<1x128x64xf32, #tpu.memory_space<vmem>>
        %dma_start3A_589 = tpu.memref_squeeze %dma_start3A_588 : memref<1x128x64xf32, #tpu.memory_space<vmem>> -> memref<128x64xf32, #tpu.memory_space<vmem>>
        %dma_start3A_590 = arith.constant 0 : i32
        %dma_start3A_591 = arith.constant 0 : i32
        %dma_start3A_592 = tpu.memref_slice %arg5[%dma_start3A_577, %dma_start3A_590, %dma_start3A_591] : memref<2x4x128xi32, #tpu.memory_space<vmem>> -> memref<1x4x128xi32, #tpu.memory_space<vmem>>
        %dma_start3A_593 = tpu.memref_squeeze %dma_start3A_592 : memref<1x4x128xi32, #tpu.memory_space<vmem>> -> memref<4x128xi32, #tpu.memory_space<vmem>>
        %dma_start3A_594 = arith.constant 0 : i32
        %dma_start3A_595 = tpu.memref_slice %dma_start3A_593[%dma_start3A_578, %dma_start3A_594] : memref<4x128xi32, #tpu.memory_space<vmem>> -> memref<1x128xi32, #tpu.memory_space<vmem>>
        %dma_start3A_596 = tpu.memref_squeeze %dma_start3A_595 : memref<1x128xi32, #tpu.memory_space<vmem>> -> memref<128xi32, #tpu.memory_space<vmem>>
        %dma_start3A_597 = arith.constant 0 : i32
        %dma_start3A_598 = arith.constant 0 : i32
        %dma_start3A_599 = tpu.memref_slice %arg3[%dma_start3A_597, %dma_start3A_598] : memref<1000000x64xf32, #tpu.memory_space<hbm>> -> memref<1000000x64xf32, #tpu.memory_space<hbm>>
        tpu.enqueue_indirect_dma source(%dma_start3A_599 : memref<1000000x64xf32, #tpu.memory_space<hbm>>) target(%dma_start3A_589 : memref<128x64xf32, #tpu.memory_space<vmem>>) offsets(%dma_start3A_596 : memref<128xi32, #tpu.memory_space<vmem>>) semaphore(%arg9 : memref<!tpu.dma_semaphore, #tpu.memory_space<semaphore_mem>>)
      } else {
      }
      scf.yield %scan3A_493#0, %scan3A_493#1, %scan3A_493#2, %scan3A_493#3, %scan3A_493#4, %scan3A_493#5, %scan3A_493#6, %scan3A_493#7, %scan3A_493#8, %scan3A_493#9, %scan3A_493#10, %scan3A_493#11, %scan3A_493#12, %scan3A_493#13, %scan3A_493#14, %scan3A_493#15 : vector<16xf32>, vector<16xf32>, vector<16xf32>, vector<16xf32>, vector<16xf32>, vector<16xf32>, vector<16xf32>, vector<16xf32>, vector<16xf32>, vector<16xf32>, vector<16xf32>, vector<16xf32>, vector<16xf32>, vector<16xf32>, vector<16xf32>, vector<16xf32>
    }
    %scan3A_226 = arith.constant 25 : i32
    %add3A_227 = arith.addf %scan3A_225#0, %scan3A_225#1 : vector<16xf32>
    %add3A_228 = arith.addf %add3A_227, %scan3A_225#2 : vector<16xf32>
    %add3A_229 = arith.addf %add3A_228, %scan3A_225#3 : vector<16xf32>
    %add3A_230 = arith.addf %add3A_229, %scan3A_225#4 : vector<16xf32>
    %add3A_231 = arith.addf %add3A_230, %scan3A_225#5 : vector<16xf32>
    %add3A_232 = arith.addf %add3A_231, %scan3A_225#6 : vector<16xf32>
    %add3A_233 = arith.addf %add3A_232, %scan3A_225#7 : vector<16xf32>
    %add3A_234 = arith.addf %add3A_233, %scan3A_225#8 : vector<16xf32>
    %add3A_235 = arith.addf %add3A_234, %scan3A_225#9 : vector<16xf32>
    %add3A_236 = arith.addf %add3A_235, %scan3A_225#10 : vector<16xf32>
    %add3A_237 = arith.addf %add3A_236, %scan3A_225#11 : vector<16xf32>
    %add3A_238 = arith.addf %add3A_237, %scan3A_225#12 : vector<16xf32>
    %add3A_239 = arith.addf %add3A_238, %scan3A_225#13 : vector<16xf32>
    %add3A_240 = arith.addf %add3A_239, %scan3A_225#14 : vector<16xf32>
    %add3A_241 = arith.addf %add3A_240, %scan3A_225#15 : vector<16xf32>
    %swap3A = arith.constant 0 : i32
    %swap3A_242 = arith.index_cast %swap3A : i32 to index
    %swap3A_243 = arith.constant 0 : index
    %swap3A_244 = tpu.vector_load %arg7[%swap3A_242, %swap3A_243] {strides = array<i32>} : memref<1x16xf32, #tpu.memory_space<vmem>>, vector<1x16xf32>,
    %swap3A_245 = vector.shape_cast %swap3A_244 : vector<1x16xf32> to vector<16xf32>
    %swap3A_246 = vector.shape_cast %add3A_241 : vector<16xf32> to vector<1x16xf32>
    tpu.vector_store %arg7[%swap3A_242, %swap3A_243], %swap3A_246 {strides = array<i32>} : memref<1x16xf32, #tpu.memory_space<vmem>>, vector<1x16xf32>,
    "tpu.region"() ({
      %run_scoped3A_247 = tpu.sem_alloc : memref<!tpu.dma_semaphore, #tpu.memory_space<semaphore_mem>>
      %dma_start3A_248 = arith.constant 0 : i32
      %dma_start3A_249 = tpu.memref_slice %arg4[%add3A, %dma_start3A_248] : memref<32x16xf32, #tpu.memory_space<hbm>> -> memref<1x16xf32, #tpu.memory_space<hbm>>
      %dma_start3A_250 = arith.constant 0 : i32
      %dma_start3A_251 = tpu.memref_slice %arg4[%add3A, %dma_start3A_250] : memref<32x16xf32, #tpu.memory_space<hbm>> -> memref<1x16xf32, #tpu.memory_space<hbm>>
      tpu.enqueue_dma source(%arg7 : memref<1x16xf32, #tpu.memory_space<vmem>>) target(%dma_start3A_251 : memref<1x16xf32, #tpu.memory_space<hbm>>) target_semaphore(%run_scoped3A_247 : memref<!tpu.dma_semaphore, #tpu.memory_space<semaphore_mem>>)
      %dma_wait3A = arith.constant 0 : i32
      %dma_wait3A_252 = tpu.memref_slice %arg4[%add3A, %dma_wait3A] : memref<32x16xf32, #tpu.memory_space<hbm>> -> memref<1x16xf32, #tpu.memory_space<hbm>>
      %dma_wait3A_253 = arith.constant 0 : i32
      %dma_wait3A_254 = tpu.memref_slice %arg4[%add3A, %dma_wait3A_253] : memref<32x16xf32, #tpu.memory_space<hbm>> -> memref<1x16xf32, #tpu.memory_space<hbm>>
      tpu.wait_dma2 semaphore(%run_scoped3A_247 : memref<!tpu.dma_semaphore, #tpu.memory_space<semaphore_mem>>) src(%arg7 : memref<1x16xf32, #tpu.memory_space<vmem>>) dst(%dma_wait3A_254 : memref<1x16xf32, #tpu.memory_space<hbm>>)
      tpu.yield
    }) : () -> ()
    return
  }
}

module attributes {stable_mosaic.version = 14 : i64} {
  func.func @_mlp_body(%arg0: i32, %arg1: memref<1024x128xf32, #tpu.memory_space<vmem>>, %arg2: memref<256x128xf32, #tpu.memory_space<vmem>>, %arg3: memref<1x256xf32, #tpu.memory_space<vmem>>, %arg4: memref<128x256xf32, #tpu.memory_space<vmem>>, %arg5: memref<1x128xf32, #tpu.memory_space<vmem>>, %arg6: memref<1024x128xf32, #tpu.memory_space<vmem>>) attributes {dimension_semantics = [#tpu.dimension_semantics<arbitrary>], iteration_bounds = array<i64: 4>, scalar_prefetch = 0 : i64, scratch_operands = 0 : i64, tpu.core_type = #tpu.core_type<tc>, window_params = [{transform_indices = @transform_0, window_bounds = array<i64: 1024, 128>}, {pipeline_mode = #tpu.pipeline_mode<synchronous>, transform_indices = @transform_1, window_bounds = array<i64: 256, 128>}, {pipeline_mode = #tpu.pipeline_mode<synchronous>, transform_indices = @transform_2, window_bounds = array<i64: 1, 256>}, {pipeline_mode = #tpu.pipeline_mode<synchronous>, transform_indices = @transform_3, window_bounds = array<i64: 128, 256>}, {pipeline_mode = #tpu.pipeline_mode<synchronous>, transform_indices = @transform_4, window_bounds = array<i64: 1, 128>}, {transform_indices = @transform_5, window_bounds = array<i64: 1024, 128>}]} {
    %get3A = arith.constant 0 : index
    %get3A_0 = arith.constant 0 : index
    %get3A_1 = vector.load %arg1[%get3A, %get3A_0] : memref<1024x128xf32, #tpu.memory_space<vmem>>, vector<1024x128xf32>
    %get3A_2 = arith.constant 0 : index
    %get3A_3 = arith.constant 0 : index
    %get3A_4 = vector.load %arg2[%get3A_2, %get3A_3] : memref<256x128xf32, #tpu.memory_space<vmem>>, vector<256x128xf32>
    %dot_general3A = arith.constant dense<0.000000e+00> : vector<1024x256xf32>
    %dot_general3A_5 = tpu.matmul %get3A_1, %get3A_4, %dot_general3A {dimension_numbers = #tpu.dot_dimension_numbers<[1], [1], [0], [0], [0, 0, 1, 0], [], []>, transpose_lhs_hint = false} : vector<1024x128xf32>, vector<256x128xf32>, vector<1024x256xf32> -> vector<1024x256xf32>
    %get3A_6 = arith.constant 0 : index
    %get3A_7 = arith.constant 0 : index
    %get3A_8 = vector.load %arg3[%get3A_6, %get3A_7] : memref<1x256xf32, #tpu.memory_space<vmem>>, vector<1x256xf32>
    %add3A = vector.broadcast %get3A_8 : vector<1x256xf32> to vector<1024x256xf32>
    %add3A_9 = arith.addf %dot_general3A_5, %add3A : vector<1024x256xf32>
    %max3A = arith.constant 0.000000e+00 : f32
    %max3A_10 = vector.broadcast %max3A : f32 to vector<1024x256xf32>
    %max3A_11 = arith.maximumf %add3A_9, %max3A_10 : vector<1024x256xf32>
    %get3A_12 = arith.constant 0 : index
    %get3A_13 = arith.constant 0 : index
    %get3A_14 = vector.load %arg4[%get3A_12, %get3A_13] : memref<128x256xf32, #tpu.memory_space<vmem>>, vector<128x256xf32>
    %dot_general3A_15 = arith.constant dense<0.000000e+00> : vector<1024x128xf32>
    %dot_general3A_16 = tpu.matmul %max3A_11, %get3A_14, %dot_general3A_15 {dimension_numbers = #tpu.dot_dimension_numbers<[1], [1], [0], [0], [0, 0, 1, 0], [], []>, transpose_lhs_hint = false} : vector<1024x256xf32>, vector<128x256xf32>, vector<1024x128xf32> -> vector<1024x128xf32>
    %get3A_17 = arith.constant 0 : index
    %get3A_18 = arith.constant 0 : index
    %get3A_19 = vector.load %arg5[%get3A_17, %get3A_18] : memref<1x128xf32, #tpu.memory_space<vmem>>, vector<1x128xf32>
    %add3A_20 = vector.broadcast %get3A_19 : vector<1x128xf32> to vector<1024x128xf32>
    %add3A_21 = arith.addf %dot_general3A_16, %add3A_20 : vector<1024x128xf32>
    %swap3A = arith.constant 0 : index
    %swap3A_22 = arith.constant 0 : index
    %swap3A_23 = vector.load %arg6[%swap3A, %swap3A_22] : memref<1024x128xf32, #tpu.memory_space<vmem>>, vector<1024x128xf32>
    tpu.vector_store %arg6[%swap3A, %swap3A_22], %add3A_21 {strides = array<i32>} : memref<1024x128xf32, #tpu.memory_space<vmem>>, vector<1024x128xf32>,
    return
  }
  func.func @transform_0(%arg0: i32) -> (i32, i32) {
    %c0_i32 = arith.constant 0 : i32
    %c0_i32_0 = arith.constant 0 : i32
    return %arg0, %c0_i32 : i32, i32
  }
  func.func @transform_1(%arg0: i32) -> (i32, i32) {
    %c0_i32 = arith.constant 0 : i32
    %c0_i32_0 = arith.constant 0 : i32
    %c0_i32_1 = arith.constant 0 : i32
    return %c0_i32, %c0_i32_0 : i32, i32
  }
  func.func @transform_2(%arg0: i32) -> (i32, i32) {
    %c0_i32 = arith.constant 0 : i32
    %c0_i32_0 = arith.constant 0 : i32
    %c0_i32_1 = arith.constant 0 : i32
    return %c0_i32, %c0_i32_0 : i32, i32
  }
  func.func @transform_3(%arg0: i32) -> (i32, i32) {
    %c0_i32 = arith.constant 0 : i32
    %c0_i32_0 = arith.constant 0 : i32
    %c0_i32_1 = arith.constant 0 : i32
    return %c0_i32, %c0_i32_0 : i32, i32
  }
  func.func @transform_4(%arg0: i32) -> (i32, i32) {
    %c0_i32 = arith.constant 0 : i32
    %c0_i32_0 = arith.constant 0 : i32
    %c0_i32_1 = arith.constant 0 : i32
    return %c0_i32, %c0_i32_0 : i32, i32
  }
  func.func @transform_5(%arg0: i32) -> (i32, i32) {
    %c0_i32 = arith.constant 0 : i32
    %c0_i32_0 = arith.constant 0 : i32
    return %arg0, %c0_i32 : i32, i32
  }
}

</mosaic_0001>

<sc_bundles>
// kernel: kernel.4.cloned.1.call-start
scs
__scs_entry_jumppad:
0x0: {  	(pc) =	sbr.rel $0x88, $3  }
0x1: {  	(tag) =	ssettag $0x0;
	lr =	simm.s32 $0x1  }
0x2: {  	[smem:$0x3F9A] =	sst lr;
	_ =	strace $0xD0000000  }
0x3: {  	_ = 	snop  }
0x4: {  	_ = 	snop  }
0x5: {  	_ = 	snop  }
0x6: {  	_ = 	snop  }
0x7: {  	_ = 	snop  }
__scs_overlays_trampoline_lowered:
0x8: {  	[smem:$0x3FA9] =	sst s0  }
0x9: {  	[smem:$0x3FAA] =	sst s1  }
0xa: {  	[smem:$0x3FAB] =	sst s2  }
0xb: {  	[smem:$0x3FAC] =	sst s3  }
0xc: {  	[smem:$0x3FAD] =	sst s4  }
0xd: {  	[smem:$0x3FAE] =	sst s5  }
0xe: {  	[smem:$0x3FAF] =	sst s6  }
0xf: {  	[smem:$0x3FB0] =	sst s7  }
0x10: {  	[smem:$0x3FB1] =	sst s8  }
0x11: {  	[smem:$0x3FB2] =	sst s9;
	s0 =	simm.s32 @!p0 $0x0  }
0x12: {  	s1 =	sld [smem:$0x3F98];
	s0 =	simm.s32 @p0 $0x1  }
0x13: {  	[smem:$0x3FB3] =	sst s0;
	s0 =	simm.s32 @!p1 $0x0  }
0x14: {  	s2 =	sld [smem:$0x3F97];
	s0 =	simm.s32 @p1 $0x1  }
0x15: {  	[smem:$0x3FB4] =	sst s0;
	s0 =	simm.s32 @!p2 $0x0  }
0x16: {  	s3 =	sld [smem:$0x3FDB];
	s0 =	simm.s32 @p2 $0x1  }
0x17: {  	s4 =	simm.s32 $0x1BF5;
	[smem:$0x3FB6] =	sst s0  }
0x18: {  	s0 =	sld [smem:$0x3F99];
	_ =	swait.ge [sflag:s4], $0x0  }
0x19: {  	s7 =	sld [smem:$0x3F9A]  }
0x1a: {  	s8 =	sadd.s32 $0xFFFFE003, lr  }
0x1b: {  	s9 =	sadd.s32 $0xFFFFFEF7, lr;
	s5 =	simm.s32 $0xFFFFFFFF;
	p2 =	slt.u32 s8, $0xFFFFF086  }
0x1c: {  	p1 =	slt.u32 s9, $0xF7A;
	s5 =	simm.s32 @!p2 $0x0  }
0x1d: {  	s5 =	simm.s32 @p1 $0x1;
	p0 =	seq.s32 s7, s2  }
0x1e: {  	s7 =	smul.u32 @!p0 $0xF7A, s2;
	p2 =	seq.s32 @!p0 s5, $0x0  }
0x1f: {  	s9 =	smul.u32 $0xF7A, s1;
	s8 =	simm.s32 @!p0 $0x1BF5;
	p2 =	por !p2, p0  }
0x20: {  	[sflag:s8] =	ssyncset.s32 @!p0 $0xFFFFF086;
	s6 =	sadd.s32 @!p0 s3, s7;
	s7 =	simm.s32 @!p0 $0x108  }
0x21: {  	s3 =	sadd.s32 s3, s9;
	s6 =	sadd.s32 @!p0 $0x88, s6;
	s7 =	simm.s32 @p2 $0x1082  }
0x22: {  	[simem:s7], [sflag:s8] =	dma.local @!p0 [hbm:s6], $0xF7A  }
0x23: {  	s9 =	sor.u32 $0xD0000000, s2;
	s6 =	simm.s32 $0x108;
	_ =	swait.ge @!p0 [sflag:s8], $0x0  }
0x24: {  	s3 =	sadd.s32 $0x88, s3;
	s6 =	simm.s32 @!p1 $0x1082;
	[sflag:s4] =	ssyncset.s32 $0xFFFFF086  }
0x25: {  	[simem:s6], [sflag:s4] =	dma.local [hbm:s3], $0xF7A  }
0x26: {  	[smem:$0x3F9A] =	sst s1;
	(tag) =	ssettag s2;
	_ =	strace s9  }
0x27: {  	s1 =	sld [smem:$0x3FAA]  }
0x28: {  	s2 =	sld [smem:$0x3FAB]  }
0x29: {  	s4 =	sld [smem:$0x3FAD]  }
0x2a: {  	p0 =	seq.s32 s5, $0x0;
	s5 =	sld [smem:$0x3FAE]  }
0x2b: {  	s6 =	sld [smem:$0x3FAF]  }
0x2c: {  	s7 =	sld [smem:$0x3FB0]  }
0x2d: {  	s3 =	simm.s32 $0x108;
	s8 =	sld [smem:$0x3FB1]  }
0x2e: {  	s3 =	simm.s32 @!p0 $0x1082;
	s9 =	sld [smem:$0x3FB2]  }
0x2f: {  	lr =	sadd.s32 s0, s3;
	s0 =	sld [smem:$0x3FA9]  }
0x30: {  	s3 =	sld [smem:$0x3FAC]  }
0x31: {  	[smem:$0x3FB5] =	sst s10  }
0x32: {  	s10 =	sld [smem:$0x3FB3];
	_ =	sdelay $0x3  }
0x33: {  	p0 =	seq.s32 s10, $0x1;
	s10 =	sld [smem:$0x3FB5];
	_ =	sdelay $0x3  }
0x34: {  	[smem:$0x3FB5] =	sst s10  }
0x35: {  	s10 =	sld [smem:$0x3FB4];
	_ =	sdelay $0x3  }
0x36: {  	p1 =	seq.s32 s10, $0x1;
	s10 =	sld [smem:$0x3FB5];
	_ =	sdelay $0x3  }
0x37: {  	[smem:$0x3FB5] =	sst s10  }
0x38: {  	s10 =	sld [smem:$0x3FB6]  }
0x39: {  	_ = 	snop;
	(pc) =	sbr.ind lr, $3  }
0x3a: {  	_ = 	snop  }
0x3b: {  	_ = 	snop  }
0x3c: {  	p2 =	seq.s32 s10, $0x1;
	s10 =	sld [smem:$0x3FB5]  }
0x3d: {  	_ =	shalt  }
0x3e: {  	_ =	shalt  }
0x3f: {  	_ =	shalt  }
0x40: {  	_ =	shalt  }
0x41: {  	_ =	shalt  }
0x42: {  	_ =	shalt  }
0x43: {  	_ =	shalt  }
0x44: {  	_ =	shalt  }
0x45: {  	_ =	shalt  }
0x46: {  	_ =	shalt  }
0x47: {  	_ =	shalt  }
0x48: {  	_ =	shalt  }
0x49: {  	_ =	shalt  }
0x4a: {  	_ =	shalt  }
0x4b: {  	_ =	shalt  }
0x4c: {  	_ =	shalt  }
0x4d: {  	_ =	shalt  }
0x4e: {  	_ =	shalt  }
0x4f: {  	_ =	shalt  }
0x50: {  	_ =	shalt  }
0x51: {  	_ =	shalt  }
0x52: {  	_ =	shalt  }
0x53: {  	_ =	shalt  }
0x54: {  	_ =	shalt  }
0x55: {  	_ =	shalt  }
0x56: {  	_ =	shalt  }
0x57: {  	_ =	shalt  }
0x58: {  	_ =	shalt  }
0x59: {  	_ =	shalt  }
0x5a: {  	_ =	shalt  }
0x5b: {  	_ =	shalt  }
0x5c: {  	_ =	shalt  }
0x5d: {  	_ =	shalt  }
0x5e: {  	_ =	shalt  }
0x5f: {  	_ =	shalt  }
0x60: {  	_ =	shalt  }
0x61: {  	_ =	shalt  }
0x62: {  	_ =	shalt  }
0x63: {  	_ =	shalt  }
0x64: {  	_ =	shalt  }
0x65: {  	_ =	shalt  }
0x66: {  	_ =	shalt  }
0x67: {  	_ =	shalt  }
0x68: {  	_ =	shalt  }
0x69: {  	_ =	shalt  }
0x6a: {  	_ =	shalt  }
0x6b: {  	_ =	shalt  }
0x6c: {  	_ =	shalt  }
0x6d: {  	_ =	shalt  }
0x6e: {  	_ =	shalt  }
0x6f: {  	_ =	shalt  }
0x70: {  	_ =	shalt  }
0x71: {  	_ =	shalt  }
0x72: {  	_ =	shalt  }
0x73: {  	_ =	shalt  }
0x74: {  	_ =	shalt  }
0x75: {  	_ =	shalt  }
0x76: {  	_ =	shalt  }
0x77: {  	_ =	shalt  }
0x78: {  	_ =	shalt  }
0x79: {  	_ =	shalt  }
0x7a: {  	_ =	shalt  }
0x7b: {  	_ =	shalt  }
0x7c: {  	_ =	shalt  }
0x7d: {  	_ =	shalt  }
0x7e: {  	_ =	shalt  }
0x7f: {  	_ =	shalt  }
0x80: {  	_ =	shalt  }
0x81: {  	_ =	shalt  }
0x82: {  	_ =	shalt  }
0x83: {  	_ =	shalt  }
0x84: {  	_ =	shalt  }
0x85: {  	_ =	shalt  }
0x86: {  	_ =	shalt  }
0x87: {  	_ =	shalt  }
.Lfunc_end0:
.L_simem_size_0:
called_computation_lowered:
.L_overlay_start_0:
0x88: {  	s2 =	sld [smem:$0x3FD9]  }
0x89: {  	s3 =	sld [smem:$0x3FFE];
	_ =	sdelay $0x1  }
0x8a: {  	s1 =	srdreg.scid  }
0x8b: {  	s0 =	sand.u32 $0x1, s1  }
0x8c: {  	s17 =	sshll.u32 s0, $0xA;
	s2 =	sadd.s32 s3, s2  }
0x8d: {  	s2 =	sadd.s32 s2, s17  }
0x8e: {  	[smem:$0x3FC1] =	sst s2  }
0x8f: {  	_ = 	snop  }
0x90: {  	s2 =	sld [smem:$0x3FD0];
	(tm) =	ssettm $0x1  }
0x91: {  	s18 =	sld [smem:$0x3FFB];
	_ =	sdelay $0x3  }
0x92: {  	_ =	strace s18  }
0x93: {  	s3 =	sld [smem:$0x3FFC];
	_ =	sdelay $0x3  }
0x94: {  	_ =	strace s3  }
0x95: {  	s3 =	sld [smem:$0x3FFD];
	_ =	sdelay $0x3  }
0x96: {  	_ =	strace s3  }
0x97: {  	_ =	strace $0x8FFFFFFF  }
0x98: {  	s19 =	sld [smem:$0x3FDB];
	_ =	sdelay $0x1  }
0x99: {  	s4 =	simm.s32 $_scs_section_size  }
0x9a: {  	s5 =	simm.s32 $_size__tile_overlayer_lowered;
	s6 =	simm.s32 $_tile_overlayer_lowered  }
0x9b: {  	s22 =	simm.s32 $0x1BFF;
	s21 =	sshll.u32 s6, $0x1;
	s3 =	sadd.s32 s4, s19  }
0x9c: {  	s7 =	simm.s32 $0x0;
	s20 =	sshll.u32 s5, $0x1;
	s5 =	sadd.s32 s21, s3  }
0x9d: {  	[timem:s7], [sflag:s22] =	dma.local [hbm:s5], s20  }
0x9e: {  	_ =	swait.ge [sflag:s22], s20  }
0x9f: {  	s4 =	ssub.s32 $0x0, s20;
	[sflag:s22] =	ssyncset.done $0x0  }
0xa0: {  	[sflag:s22] =	ssyncadd.s32 s4;
	_ =	sdelay $0x1  }
0xa1: {  	s23 =	simm.s32 $0x1B8B  }
0xa2: {  	_ =	swait.ge [sflag:s23], $0x1  }
0xa3: {  	[sflag:s23] =	ssyncset.done $0x0  }
0xa4: {  	s25 =	simm.s32 $0x1B8E;
	s24 =	sld [smem:$0x3FFE];
	[sflag:s23] =	ssyncadd.s32 $0xFFFFFFFF  }
0xa5: {  	s26 =	simm.s32 $execute0_lowered;
	[smem:$0x3FD2] =	sst s25  }
0xa6: {  	s5 =	sshll.u32 s26, $0x1;
	_ =	strace $0x80000046;
	[dreg:$0x1] =	wrdreg $0xFFFFFFFF  }
0xa7: {  	s28 =	simm.s32 $_size_execute0_lowered;
	s3 =	sadd.s32 s3, s5;
	[dreg:$0x0] =	wrdreg $0x0  }
0xa8: {  	s5 =	sshll.u32 s28, $0x1;
	[dreg:$0x2] =	wrdreg s3  }
0xa9: {  	[dreg:$0x3] =	wrdreg s5  }
0xaa: {  	[dreg:$0x4] =	wrdreg $0xC0  }
0xab: {  	_ =	task [dreg:s7], $0x5FFFF  }
0xac: {  	[dreg:$0x1] =	wrdreg $0xFFFFFFFF  }
0xad: {  	[dreg:$0x0] =	wrdreg $0x60  }
0xae: {  	[dreg:$0x2] =	wrdreg s24  }
0xaf: {  	[dreg:$0x3] =	wrdreg s2  }
0xb0: {  	[dreg:$0x4] =	wrdreg $0x9  }
0xb1: {  	_ =	task.clear_ibuf [dreg:s7], $0x5FFFF;
	_ =	strace $0x90000046  }
0xb2: {  	s29 =	simm.s32 $0x9;
	_ =	strace $0x80000048  }
0xb3: {  	_ =	swait.ge [sflag:s29], $0x1  }
0xb4: {  	[sflag:s29] =	ssyncadd.s32 $0xFFFFFFFF  }
0xb5: {  	_ =	strace $0x90000048  }
0xb6: {  	_ =	sfence  }
0xb7: {  	s30 =	sld [smem:$0x0];
	_ =	sdelay $0x2  }
0xb8: {  	s31 =	sshll.u32 s1, $0xD;
	s1 =	sshrl.u32 s1, $0x2  }
0xb9: {  	s3 =	sand.u32 $0x4000, s31;
	s1 =	sadd.s32 s1, s30  }
0xba: {  	s0 =	sor.u32 s3, s0;
	s1 =	sshll.u32 s1, $0x11  }
0xbb: {  	s0 =	sor.u32 s1, s0  }
0xbc: {  	s0 =	sadd.s32 $0x8F2B, s0  }
0xbd: {  	[sflag:s0] =	ssyncadd.remote.s32 $0x1  }
0xbe: {  	_ =	sfence.sel $0xFFFF  }
0xbf: {  	[dreg:$0x0] =	wrdreg $0xFFFFFFFF;
	(pc) =	sbr.abs _section_cstart, $3  }
0xc0: {  	[dreg:$0x1] =	wrdreg $0xFFFFFFFF  }
0xc1: {  	_ =	task.clear_ibuf [dreg:s7], $0x2FFFF;
	_ =	strace $0x9FFFFFFF  }
0xc2: {  	(tm) =	ssettm $0x7FFFFFFF  }
0xc3: {  	_ =	shalt  }
tec
execute0_lowered:
.L_overlay_start_1:
0x0: {  	(tag) =	ssettag $0x1  }
0x1: {  	s0 =	rddreg [dreg:$0x0]  }
0x2: {  	s1 =	rddreg [dreg:$0x1];
	s3 =	srdreg.scid  }
0x3: {  	s4 =	stileid.u32;
	s2 =	simm.s32 $0x0;
	s11 =	simm.s32 $0x3  }
0x4: {  	s12 =	simm.s32 $0x80;
	s16 =	simm.s32 $0x4400;
	s17 =	simm.s32 $0x180  }
0x5: {  	s18 =	simm.s32 $0x6400;
	s19 =	simm.s32 $0x200;
	s20 =	simm.s32 $0x8400  }
0x6: {  	s21 =	simm.s32 $0x280;
	s22 =	simm.s32 $0xA400;
	s23 =	simm.s32 $0x300  }
0x7: {  	s24 =	simm.s32 $0xC400;
	s28 =	simm.s32 $0x1;
	s29 =	simm.s32 $0x2  }
0x8: {  	s30 =	simm.s32 $0x10400;
	s5 =	sand.u32 $0x1, s3;
	s25 =	sshll.u32 s4, $0x1  }
0x9: {  	s31 =	simm.s32 $0x0;
	[smem:$0x7FF] =	sst s2;
	s7 =	sor.u32 s5, s25  }
0xa: {  	s3 =	sadd.s32 $0xC00, s0;
	s4 =	sadd.s32 $0xF43000, s0;
	s6 =	smul.u32 $0xC80, s7  }
.Ltmp0:
0xb: {  	_ =	strace $0x80000047;
	s26 =	ssub.s32 $0x2, s5;
	(pc) =	sbr.rel .LBB2_1-.Ltmp0, $4  }
0xc: {  	s25 =	simm.s32 $0x380;
	s8 =	sshrl.u32 s26, $0x1;
	s9 =	smul.u32 $0x6400, s7  }
0xd: {  	s10 =	sshll.u32 s7, $0x1;
	s0 =	ssub.s32 s26, s8;
	s26 =	simm.s32 $0xE400  }
0xe: {  	s5 =	sadd.s32 s3, s6;
	s7 =	sadd.s32 $0x400, s9;
	s8 =	sadd.s32 $0x600, s9  }
0xf: {  	s9 =	sadd.s32 s1, s10;
	s10 =	smax.u32 s0, $0x1;
	s6 =	sadd.s32 $0x40, s5  }
.LBB2_8:
0x10: {  	v6 =	vadd.f32 v7, v16;
	_ =	sdelay $0x1  }
0x11: {  	v6 =	vadd.f32 v8, v6;
	_ =	sdelay $0x1  }
0x12: {  	v6 =	vadd.f32 v9, v6;
	_ =	sdelay $0x1  }
0x13: {  	v6 =	vadd.f32 v10, v6;
	_ =	sdelay $0x1  }
0x14: {  	v6 =	vadd.f32 v11, v6;
	_ =	sdelay $0x1  }
0x15: {  	v6 =	vadd.f32 v12, v6;
	_ =	sdelay $0x1  }
0x16: {  	v6 =	vadd.f32 v13, v6;
	_ =	sdelay $0x1  }
0x17: {  	v6 =	vadd.f32 v14, v6;
	_ =	sdelay $0x1  }
0x18: {  	v6 =	vadd.f32 v15, v6;
	_ =	sdelay $0x1  }
0x19: {  	v4 =	vadd.f32 v4, v6;
	_ =	sdelay $0x1  }
0x1a: {  	v3 =	vadd.f32 v3, v4;
	_ =	sdelay $0x1  }
0x1b: {  	v2 =	vadd.f32 v2, v3;
	_ =	sdelay $0x1  }
0x1c: {  	v1 =	vadd.f32 v1, v2;
	_ =	sdelay $0x1  }
0x1d: {  	v0 =	vadd.f32 v0, v1;
	_ =	sdelay $0x1  }
0x1e: {  	s31 =	sadd.s32 $0x1, s31;
	v0 =	vadd.f32 v5, v0  }
0x1f: {  	p0 =	sne.s32 s31, s10  }
.Ltmp1:
0x20: {  	[tilespmem:$0x10400] =	vst v0;
	(pc) =	sbr.rel @!p0 .LBB2_9-.Ltmp1, $4  }
0x21: {  	[hbm4b:s9+s2] =	stream.linear.scatter [tilespmem:s30], [sflag:$0x3], $0x10, $0x38;
	[tilespmem:$0x10410] =	vst v63  }
0x22: {  	_ =	swait.ge [sflag:s11], $0x10  }
0x23: {  	[sflag:s11] =	ssyncset.done $0x0  }
0x24: {  	[sflag:s11] =	ssyncadd.s32 $0xFFFFFFF0  }
.LBB2_1:
0x25: {  	[tilespmem:s2], [sflag:$0x3] =	stream.linear.gather [hbm4b:s5+s2], $0x200, $0x38;
	[tilespmem:$0x10410] =	vst v63  }
0x26: {  	_ =	swait.ge [sflag:s11], $0x200  }
0x27: {  	[sflag:s11] =	ssyncset.done $0x0  }
0x28: {  	s0 =	simm.s32 $0x400;
	[sflag:s11] =	ssyncadd.s32 $0xFFFFFE00  }
0x29: {  	[tilespmem:s0], [sflag:$0x1] =	stream.indirect.gather [hbm4b:s4+s12], $0x40, s2, s12, $0xb8;
	[tilespmem:$0x10410] =	vst v63  }
0x2a: {  	s14 =	simm.s32 $0x2400  }
0x2b: {  	[tilespmem:s14], [sflag:$0x1] =	stream.indirect.gather [hbm4b:s4+s12], $0x40, s12, s12, $0xb8;
	[tilespmem:$0x10410] =	vst v63  }
0x2c: {  	s15 =	simm.s32 $0x100  }
0x2d: {  	[tilespmem:s16], [sflag:$0x1] =	stream.indirect.gather [hbm4b:s4+s12], $0x40, s15, s12, $0xb8;
	[tilespmem:$0x10410] =	vst v63  }
0x2e: {  	_ = 	snop  }
0x2f: {  	[tilespmem:s18], [sflag:$0x1] =	stream.indirect.gather [hbm4b:s4+s12], $0x40, s17, s12, $0xb8;
	[tilespmem:$0x10410] =	vst v63  }
0x30: {  	_ = 	snop  }
0x31: {  	[tilespmem:s19], [sflag:$0x3] =	stream.linear.gather [hbm4b:s6+s2], $0x200, $0x38;
	[tilespmem:$0x10410] =	vst v63  }
0x32: {  	_ =	swait.ge [sflag:s11], $0x200  }
0x33: {  	[sflag:s11] =	ssyncset.done $0x0  }
0x34: {  	[sflag:s11] =	ssyncadd.s32 $0xFFFFFE00  }
0x35: {  	[tilespmem:s20], [sflag:$0x2] =	stream.indirect.gather [hbm4b:s4+s12], $0x40, s19, s12, $0xb8;
	[tilespmem:$0x10410] =	vst v63  }
0x36: {  	v5 =	vimm.f32 $0.0e+00  }
0x37: {  	v0 =	vimm.f32 $0.0e+00;
	v1 =	vimm.f32 $0.0e+00;
	v2 =	vimm.f32 $0.0e+00;
	[tilespmem:s22], [sflag:$0x2] =	stream.indirect.gather [hbm4b:s4+s12], $0x40, s21, s12, $0xb8;
	[tilespmem:$0x10410] =	vst v63  }
0x38: {  	v3 =	vimm.f32 $0.0e+00;
	v4 =	vimm.f32 $0.0e+00;
	v15 =	vimm.f32 $0.0e+00  }
0x39: {  	v14 =	vimm.f32 $0.0e+00;
	v13 =	vimm.f32 $0.0e+00;
	v12 =	vimm.f32 $0.0e+00;
	[tilespmem:s24], [sflag:$0x2] =	stream.indirect.gather [hbm4b:s4+s12], $0x40, s23, s12, $0xb8;
	[tilespmem:$0x10410] =	vst v63  }
0x3a: {  	v11 =	vimm.f32 $0.0e+00;
	v10 =	vimm.f32 $0.0e+00;
	v9 =	vimm.f32 $0.0e+00;
	s0 =	simm.s32 $0x0  }
0x3b: {  	v8 =	vimm.f32 $0.0e+00;
	v7 =	vimm.f32 $0.0e+00;
	v16 =	vimm.f32 $0.0e+00;
	[tilespmem:s26], [sflag:$0x2] =	stream.indirect.gather [hbm4b:s4+s12], $0x40, s25, s12, $0xb8;
	[tilespmem:$0x10410] =	vst v63  }
.LBB2_2:
0x3c: {  	_ =	swait.ge [sflag:s28], $0x2000  }
0x3d: {  	[sflag:s28] =	ssyncset.done $0x0  }
0x3e: {  	[sflag:s28] =	ssyncadd.s32 $0xFFFFE000  }
0x3f: {  	_ =	swait.ge [sflag:s28], $0x2000  }
0x40: {  	[sflag:s28] =	ssyncset.done $0x0  }
0x41: {  	[sflag:s28] =	ssyncadd.s32 $0xFFFFE000  }
0x42: {  	_ =	swait.ge [sflag:s28], $0x2000  }
0x43: {  	[sflag:s28] =	ssyncset.done $0x0  }
0x44: {  	[sflag:s28] =	ssyncadd.s32 $0xFFFFE000  }
0x45: {  	_ =	swait.ge [sflag:s28], $0x2000  }
0x46: {  	[sflag:s28] =	ssyncset.done $0x0  }
0x47: {  	s14 =	simm.s32 $0x0;
	[sflag:s28] =	ssyncadd.s32 $0xFFFFE000  }
0x48: {  	v6 =	vld [tilespmem:s14+$0x6430]  }
0x49: {  	v17 =	vld [tilespmem:s14+$0x400]  }
0x4a: {  	v18 =	vld [tilespmem:s14+$0x410]  }
0x4b: {  	v19 =	vld [tilespmem:s14+$0x420]  }
0x4c: {  	v20 =	vld [tilespmem:s14+$0x430]  }
0x4d: {  	v21 =	vld [tilespmem:s14+$0x2400]  }
0x4e: {  	v22 =	vld [tilespmem:s14+$0x2410]  }
0x4f: {  	v23 =	vld [tilespmem:s14+$0x2420]  }
0x50: {  	v24 =	vld [tilespmem:s14+$0x2430]  }
0x51: {  	v25 =	vld [tilespmem:s14+$0x4400]  }
0x52: {  	v26 =	vld [tilespmem:s14+$0x4410];
	v5 =	vadd.f32 v6, v5  }
0x53: {  	v6 =	vadd.f32 v17, v16;
	v7 =	vadd.f32 v18, v7;
	v16 =	vld [tilespmem:s14+$0x4420]  }
0x54: {  	v8 =	vadd.f32 v19, v8;
	v9 =	vadd.f32 v20, v9;
	v17 =	vld [tilespmem:s14+$0x4430]  }
0x55: {  	v10 =	vadd.f32 v21, v10;
	v11 =	vadd.f32 v22, v11;
	v18 =	vld [tilespmem:s14+$0x6400]  }
0x56: {  	v12 =	vadd.f32 v23, v12;
	v13 =	vadd.f32 v24, v13;
	v19 =	vld [tilespmem:s14+$0x6410]  }
0x57: {  	s13 =	simm.s32 $0x40;
	s1 =	simm.s32 $0x200;
	v14 =	vadd.f32 v25, v14;
	v15 =	vadd.f32 v26, v15;
	v20 =	vld [tilespmem:s14+$0x6420]  }
.LBB2_3:
0x58: {  	p0 =	sne.s32 s1, $0x7F00;
	v21 =	vld [tilespmem:s13+$0x6430];
	v4 =	vadd.f32 v16, v4  }
0x59: {  	v16 =	vld [tilespmem:s13+$0x400];
	v3 =	vadd.f32 v17, v3  }
0x5a: {  	v17 =	vld [tilespmem:s13+$0x410];
	v2 =	vadd.f32 v18, v2  }
0x5b: {  	v18 =	vld [tilespmem:s13+$0x420];
	v1 =	vadd.f32 v19, v1  }
0x5c: {  	v19 =	vld [tilespmem:s13+$0x430];
	v0 =	vadd.f32 v20, v0  }
0x5d: {  	v20 =	vld [tilespmem:s13+$0x2400];
	v5 =	vadd.f32 v21, v5  }
0x5e: {  	v6 =	vadd.f32 v16, v6;
	v16 =	vld [tilespmem:s13+$0x2410]  }
0x5f: {  	v7 =	vadd.f32 v17, v7;
	v17 =	vld [tilespmem:s13+$0x2420]  }
0x60: {  	v8 =	vadd.f32 v18, v8;
	v18 =	vld [tilespmem:s13+$0x2430]  }
0x61: {  	v9 =	vadd.f32 v19, v9;
	v19 =	vld [tilespmem:s13+$0x4400]  }
0x62: {  	v10 =	vadd.f32 v20, v10;
	v20 =	vld [tilespmem:s13+$0x4410]  }
.Ltmp2:
0x63: {  	v11 =	vadd.f32 v16, v11;
	v16 =	vld [tilespmem:s13+$0x4420];
	(pc) =	sbr.rel @p0 .LBB2_3-.Ltmp2, $4  }
0x64: {  	v12 =	vadd.f32 v17, v12;
	v17 =	vld [tilespmem:s13+$0x4430]  }
0x65: {  	v13 =	vadd.f32 v18, v13;
	v18 =	vld [tilespmem:s13+$0x6400]  }
0x66: {  	v14 =	vadd.f32 v19, v14;
	v19 =	vld [tilespmem:s13+$0x6410]  }
0x67: {  	v15 =	vadd.f32 v20, v15;
	v20 =	vld [tilespmem:s13+$0x6420];
	s13 =	sshra.s32 s1, $0x2;
	s1 =	sadd.s32 $0x100, s1  }
0x68: {  	v21 =	vld [tilespmem:s13+$0x6430]  }
0x69: {  	v22 =	vld [tilespmem:s13+$0x400]  }
0x6a: {  	v23 =	vld [tilespmem:s13+$0x410]  }
0x6b: {  	v24 =	vld [tilespmem:s13+$0x420]  }
0x6c: {  	v25 =	vld [tilespmem:s13+$0x430]  }
0x6d: {  	v26 =	vld [tilespmem:s13+$0x2400]  }
0x6e: {  	v27 =	vld [tilespmem:s13+$0x2410]  }
0x6f: {  	v28 =	vld [tilespmem:s13+$0x2420]  }
0x70: {  	v29 =	vld [tilespmem:s13+$0x2430]  }
0x71: {  	v30 =	vld [tilespmem:s13+$0x4400]  }
0x72: {  	v31 =	vld [tilespmem:s13+$0x4410]  }
0x73: {  	v32 =	vld [tilespmem:s13+$0x4420]  }
0x74: {  	v33 =	vld [tilespmem:s13+$0x4430];
	s1 =	sshll.u32 s0, $0xA;
	p0 =	seq.s32 s0, $0x18  }
0x75: {  	v34 =	vld [tilespmem:s13+$0x6400];
	s14 =	sadd.s32 @!p0 s1, s7  }
0x76: {  	v35 =	vld [tilespmem:s13+$0x6410];
	s14 =	sshrl.u32 @!p0 s14, $0x3  }
0x77: {  	v36 =	vld [tilespmem:s13+$0x6420];
	s13 =	sadd.s32 @!p0 s3, s14;
	s14 =	simm.s32 @!p0 $0x0  }
0x78: {  	[tilespmem:s14], [sflag:$0x3] =	stream.linear.gather @!p0 [hbm4b:s13+s14], $0x200, $0x38;
	[tilespmem:$0x10410] =	vst v63  }
0x79: {  	s13 =	simm.s32 @!p0 $0x3  }
0x7a: {  	_ =	swait.ge @!p0 [sflag:s13], $0x200  }
0x7b: {  	[sflag:s13] =	ssyncset.done @!p0 $0x0  }
0x7c: {  	s15 =	simm.s32 @!p0 $0x400;
	[sflag:s13] =	ssyncadd.s32 @!p0 $0xFFFFFE00;
	s13 =	simm.s32 @!p0 $0x80  }
0x7d: {  	[tilespmem:s15], [sflag:$0x1] =	stream.indirect.gather @!p0 [hbm4b:s4+s13], $0x40, s14, s13, $0xb8;
	[tilespmem:$0x10410] =	vst v63  }
0x7e: {  	s14 =	simm.s32 @!p0 $0x2400  }
0x7f: {  	[tilespmem:s14], [sflag:$0x1] =	stream.indirect.gather @!p0 [hbm4b:s4+s13], $0x40, s13, s13, $0xb8;
	[tilespmem:$0x10410] =	vst v63  }
0x80: {  	s15 =	simm.s32 @!p0 $0x4400;
	s14 =	simm.s32 @!p0 $0x100  }
0x81: {  	[tilespmem:s15], [sflag:$0x1] =	stream.indirect.gather @!p0 [hbm4b:s4+s13], $0x40, s14, s13, $0xb8;
	[tilespmem:$0x10410] =	vst v63  }
0x82: {  	s14 =	simm.s32 @!p0 $0x180;
	s15 =	simm.s32 @!p0 $0x6400  }
0x83: {  	[tilespmem:s15], [sflag:$0x1] =	stream.indirect.gather @!p0 [hbm4b:s4+s13], $0x40, s14, s13, $0xb8;
	[tilespmem:$0x10410] =	vst v63  }
0x84: {  	_ =	swait.ge [sflag:s29], $0x2000  }
0x85: {  	[sflag:s29] =	ssyncset.done $0x0  }
0x86: {  	[sflag:s29] =	ssyncadd.s32 $0xFFFFE000  }
0x87: {  	_ =	swait.ge [sflag:s29], $0x2000  }
0x88: {  	[sflag:s29] =	ssyncset.done $0x0  }
0x89: {  	[sflag:s29] =	ssyncadd.s32 $0xFFFFE000  }
0x8a: {  	_ =	swait.ge [sflag:s29], $0x2000  }
0x8b: {  	[sflag:s29] =	ssyncset.done $0x0  }
0x8c: {  	[sflag:s29] =	ssyncadd.s32 $0xFFFFE000  }
0x8d: {  	_ =	swait.ge [sflag:s29], $0x2000  }
0x8e: {  	[sflag:s29] =	ssyncset.done $0x0  }
0x8f: {  	s15 =	simm.s32 $0x0;
	[sflag:s29] =	ssyncadd.s32 $0xFFFFE000  }
0x90: {  	v4 =	vadd.f32 v16, v4;
	v3 =	vadd.f32 v17, v3;
	v16 =	vld [tilespmem:s15+$0xE430]  }
0x91: {  	v2 =	vadd.f32 v18, v2;
	v1 =	vadd.f32 v19, v1;
	v17 =	vld [tilespmem:s15+$0x8400]  }
0x92: {  	v18 =	vadd.f32 v20, v0;
	v19 =	vadd.f32 v21, v5;
	v20 =	vld [tilespmem:s15+$0x8410]  }
0x93: {  	v6 =	vadd.f32 v22, v6;
	v21 =	vadd.f32 v23, v7;
	v22 =	vld [tilespmem:s15+$0x8420]  }
0x94: {  	v23 =	vadd.f32 v24, v8;
	v57 =	vadd.f32 v25, v9;
	v58 =	vld [tilespmem:s15+$0x8430]  }
0x95: {  	v26 =	vadd.f32 v26, v10;
	v27 =	vadd.f32 v27, v11;
	v11 =	vld [tilespmem:s15+$0xA400]  }
0x96: {  	v12 =	vadd.f32 v28, v12;
	v13 =	vadd.f32 v29, v13;
	v59 =	vld [tilespmem:s15+$0xA410]  }
0x97: {  	v14 =	vadd.f32 v30, v14;
	v15 =	vadd.f32 v31, v15;
	v60 =	vld [tilespmem:s15+$0xA420]  }
0x98: {  	v5 =	vadd.f32 v32, v4;
	v0 =	vadd.f32 v33, v3;
	v61 =	vld [tilespmem:s15+$0xA430]  }
0x99: {  	v7 =	vadd.f32 v34, v2;
	v1 =	vadd.f32 v35, v1;
	v62 =	vld [tilespmem:s15+$0xC400]  }
0x9a: {  	v8 =	vadd.f32 v36, v18;
	v63 =	vld [tilespmem:s15+$0xC410];
	v2 =	vadd.f32 v16, v19  }
0x9b: {  	v9 =	vadd.f32 v17, v6;
	v3 =	vadd.f32 v20, v21;
	v16 =	vld [tilespmem:s15+$0xC420]  }
0x9c: {  	v10 =	vadd.f32 v22, v23;
	v4 =	vadd.f32 v58, v57;
	v17 =	vld [tilespmem:s15+$0xC430]  }
0x9d: {  	v18 =	vld [tilespmem:s15+$0xE400];
	v11 =	vadd.f32 v11, v26;
	v6 =	vadd.f32 v59, v27  }
0x9e: {  	v12 =	vadd.f32 v60, v12;
	v13 =	vadd.f32 v61, v13;
	v19 =	vld [tilespmem:s15+$0xE410]  }
0x9f: {  	s13 =	simm.s32 $0x40;
	s14 =	simm.s32 $0x200;
	v14 =	vadd.f32 v62, v14;
	v15 =	vadd.f32 v63, v15;
	v20 =	vld [tilespmem:s15+$0xE420]  }
.LBB2_5:
0xa0: {  	p1 =	sne.s32 s14, $0x7F00;
	v21 =	vld [tilespmem:s13+$0xE430];
	v5 =	vadd.f32 v16, v5  }
0xa1: {  	v16 =	vld [tilespmem:s13+$0x8400];
	v0 =	vadd.f32 v17, v0  }
0xa2: {  	v17 =	vld [tilespmem:s13+$0x8410];
	v7 =	vadd.f32 v18, v7  }
0xa3: {  	v18 =	vld [tilespmem:s13+$0x8420];
	v1 =	vadd.f32 v19, v1  }
0xa4: {  	v19 =	vld [tilespmem:s13+$0x8430];
	v8 =	vadd.f32 v20, v8  }
0xa5: {  	v20 =	vld [tilespmem:s13+$0xA400];
	v2 =	vadd.f32 v21, v2  }
0xa6: {  	v9 =	vadd.f32 v16, v9;
	v16 =	vld [tilespmem:s13+$0xA410]  }
0xa7: {  	v3 =	vadd.f32 v17, v3;
	v17 =	vld [tilespmem:s13+$0xA420]  }
0xa8: {  	v10 =	vadd.f32 v18, v10;
	v18 =	vld [tilespmem:s13+$0xA430]  }
0xa9: {  	v4 =	vadd.f32 v19, v4;
	v19 =	vld [tilespmem:s13+$0xC400]  }
0xaa: {  	v11 =	vadd.f32 v20, v11;
	v20 =	vld [tilespmem:s13+$0xC410]  }
.Ltmp3:
0xab: {  	v6 =	vadd.f32 v16, v6;
	v16 =	vld [tilespmem:s13+$0xC420];
	(pc) =	sbr.rel @p1 .LBB2_5-.Ltmp3, $4  }
0xac: {  	v12 =	vadd.f32 v17, v12;
	v17 =	vld [tilespmem:s13+$0xC430]  }
0xad: {  	v13 =	vadd.f32 v18, v13;
	v18 =	vld [tilespmem:s13+$0xE400]  }
0xae: {  	v14 =	vadd.f32 v19, v14;
	v19 =	vld [tilespmem:s13+$0xE410]  }
0xaf: {  	v15 =	vadd.f32 v20, v15;
	v20 =	vld [tilespmem:s13+$0xE420];
	s13 =	sshra.s32 s14, $0x2;
	s14 =	sadd.s32 $0x100, s14  }
0xb0: {  	v21 =	vld [tilespmem:s13+$0xE430]  }
0xb1: {  	v22 =	vld [tilespmem:s13+$0x8400]  }
0xb2: {  	v23 =	vld [tilespmem:s13+$0x8410]  }
0xb3: {  	v24 =	vld [tilespmem:s13+$0x8420]  }
0xb4: {  	v25 =	vld [tilespmem:s13+$0x8430]  }
0xb5: {  	v26 =	vld [tilespmem:s13+$0xA400]  }
0xb6: {  	v27 =	vld [tilespmem:s13+$0xA410]  }
0xb7: {  	v28 =	vld [tilespmem:s13+$0xA420]  }
0xb8: {  	v29 =	vld [tilespmem:s13+$0xA430]  }
0xb9: {  	v30 =	vld [tilespmem:s13+$0xC400]  }
0xba: {  	v31 =	vadd.f32 v16, v5;
	v32 =	vld [tilespmem:s13+$0xC410]  }
0xbb: {  	v61 =	vld [tilespmem:s13+$0xC430];
	v0 =	vadd.f32 v17, v0;
	v17 =	vadd.f32 v18, v7  }
0xbc: {  	v62 =	vld [tilespmem:s13+$0xE410];
	v1 =	vadd.f32 v19, v1;
	v19 =	vadd.f32 v20, v8  }
0xbd: {  	v63 =	vld [tilespmem:s13+$0xE420];
	v5 =	vadd.f32 v21, v2;
	v16 =	vadd.f32 v22, v9  }
0xbe: {  	v18 =	vld [tilespmem:s13+$0xC420];
	v7 =	vadd.f32 v23, v3;
	v8 =	vadd.f32 v24, v10  }
0xbf: {  	v2 =	vld [tilespmem:s13+$0xE400];
	v9 =	vadd.f32 v25, v4;
	v10 =	vadd.f32 v26, v11  }
.Ltmp4:
0xc0: {  	v11 =	vadd.f32 v27, v6;
	v12 =	vadd.f32 v28, v12;
	(pc) =	sbr.rel @p0 .LBB2_8-.Ltmp4, $4  }
0xc1: {  	v13 =	vadd.f32 v29, v13;
	v14 =	vadd.f32 v30, v14  }
0xc2: {  	v15 =	vadd.f32 v32, v15;
	v3 =	vadd.f32 v61, v0  }
0xc3: {  	v1 =	vadd.f32 v62, v1;
	v4 =	vadd.f32 v18, v31  }
0xc4: {  	v0 =	vadd.f32 v63, v19;
	v2 =	vadd.f32 v2, v17  }
0xc5: {  	s1 =	sadd.s32 s1, s8  }
0xc6: {  	s1 =	sshrl.u32 s1, $0x3  }
0xc7: {  	s1 =	sadd.s32 s3, s1  }
0xc8: {  	[tilespmem:s19], [sflag:$0x3] =	stream.linear.gather [hbm4b:s1+s2], $0x200, $0x38;
	[tilespmem:$0x10410] =	vst v63  }
0xc9: {  	_ =	swait.ge [sflag:s11], $0x200  }
0xca: {  	[sflag:s11] =	ssyncset.done $0x0  }
0xcb: {  	[sflag:s11] =	ssyncadd.s32 $0xFFFFFE00  }
0xcc: {  	[tilespmem:s20], [sflag:$0x2] =	stream.indirect.gather [hbm4b:s4+s12], $0x40, s19, s12, $0xb8;
	[tilespmem:$0x10410] =	vst v63  }
0xcd: {  	_ = 	snop  }
0xce: {  	[tilespmem:s22], [sflag:$0x2] =	stream.indirect.gather [hbm4b:s4+s12], $0x40, s21, s12, $0xb8;
	[tilespmem:$0x10410] =	vst v63  }
.Ltmp5:
0xcf: {  	_ = 	snop;
	(pc) =	sbr.rel .LBB2_2-.Ltmp5, $4  }
0xd0: {  	_ = 	snop  }
0xd1: {  	[tilespmem:s24], [sflag:$0x2] =	stream.indirect.gather [hbm4b:s4+s12], $0x40, s23, s12, $0xb8;
	[tilespmem:$0x10410] =	vst v63  }
0xd2: {  	s0 =	sadd.s32 $0x1, s0  }
0xd3: {  	[tilespmem:s26], [sflag:$0x2] =	stream.indirect.gather [hbm4b:s4+s12], $0x40, s25, s12, $0xb8;
	[tilespmem:$0x10410] =	vst v63  }
.LBB2_9:
0xd4: {  	_ =	sfence.sel $0x180000  }
0xd5: {  	[bflag:$0x0] =	sbarrier.arrive $0xFFFF  }
0xd6: {  	_ =	strace $0x90000047  }
0xd7: {  	s0 =	stileid.u32;
	[bflag:$0x2] =	sbarrier.arrive $0xFFFF  }
0xd8: {  	p0 =	sne.s32 s0, $0x0;
	s0 =	rddreg [dreg:$0x2]  }
0xd9: {  	s0 =	sadd.s32 @!p0 $0x100000, s0  }
0xda: {  	[sflag:s0] =	ssyncadd.tile.s32 @!p0 $0x1;
	_ =	shalt  }
.Lfunc_end2:
_tile_overlayer_lowered:
.L_overlay_start_2:
0xdb: {  	(tag) =	ssettag $0x2  }
0xdc: {  	s0 =	rddreg [dreg:$0x0];
	s2 =	stileid.u32  }
0xdd: {  	s1 =	rddreg [dreg:$0x1];
	p0 =	sne.s32 s2, $0x0  }
0xde: {  	s3 =	rddreg [dreg:$0x2];
	[bflag:$0x3] =	sbarrier.arrive $0xFFFF;
	s2 =	simm.s32 @!p0 $0x1C03  }
0xdf: {  	[timem:s3], [sflag:s2] =	dma.local @!p0 [hbm:s0], s1  }
0xe0: {  	s0 =	simm.s32 @!p0 $0x3  }
0xe1: {  	_ =	swait.ge @!p0 [sflag:s0], s1  }
0xe2: {  	s1 =	ssub.s32 @!p0 $0x0, s1;
	[sflag:s0] =	ssyncset.done @!p0 $0x0  }
0xe3: {  	[sflag:s0] =	ssyncadd.s32 @!p0 s1  }
0xe4: {  	[bflag:$0x3] =	sbarrier.arrive $0xFFFF  }
0xe5: {  	_ =	shalt  }

</sc_bundles>
